<compile_context>
chip_gen: v7x
topology: tpu7x:2x2x1
jax: 0.10.2.dev20260603
libtpu: 0.0.44.dev20260713+nightly
codegen_flags: <defaults>
</compile_context>

<pallas_src>
import jax
import jax.numpy as jnp
from jax import lax
from jax.experimental import pallas as pl
from jax.experimental.pallas import tpu as pltpu
from jax.experimental.pallas import tpu_sc as plsc

_BS, _P, _C = 4, 100000, 16
_HO, _WO = 256, 256
_AA = 2
_H, _W = _HO * _AA, _WO * _AA
_HW = _H * _W
_NS = 16
_PT = 6400
_CHUNK = 640
_NCH = _PT // _CHUNK
_EC = 4 * _CHUNK
_NSTREAM = _EC // 128
_NG = 3
_NR = 2
_RG = _HW // _NR
_RSTRIPE = _RG // _NS
_ZCH = 1024
_TRASH = _HW


def _splat_body(idx_hbm, wgt_hbm, vals_hbm, zeros_hbm, out_hbm, canvas_sh):
    pl.run_scoped(
        lambda idx_v, idx_loc, wgt_v, vals_v, rows_v, zeros_v, dsem: \
            _splat_inner(
                idx_hbm, wgt_hbm, vals_hbm, zeros_hbm, out_hbm, canvas_sh,
                idx_v, idx_loc, wgt_v, vals_v, rows_v, zeros_v, dsem),
        pltpu.VMEM((_NSTREAM, 128), jnp.int32),
        pltpu.VMEM((_NSTREAM, 128), jnp.int32),
        pltpu.VMEM((_EC + 16,), jnp.float32),
        pltpu.VMEM((_CHUNK, _C), jnp.float32),
        pltpu.VMEM((_EC, 8), jnp.float32),
        pltpu.VMEM((_ZCH, 8), jnp.float32),
        pltpu.SemaphoreType.DMA,
    )


def _splat_inner(idx_hbm, wgt_hbm, vals_hbm, zeros_hbm, out_hbm, canvas_sh,
                 idx_v, idx_loc, wgt_v, vals_v, rows_v, zeros_v, dsem):
    c = lax.axis_index("c")
    s = lax.axis_index("s")

    pltpu.sync_copy(zeros_hbm, zeros_v)

    def per_pass(v, carry):
        b = 2 * c + v // (_NR * _NG)
        r = (v // _NG) % _NR
        g = v % _NG

        def per_zero(zi, cz):
            pltpu.sync_copy(
                zeros_v,
                canvas_sh.at[pl.ds(s * _RSTRIPE + zi * _ZCH, _ZCH)])
            return cz

        lax.fori_loop(0, _RSTRIPE // _ZCH, per_zero, 0)
        plsc.subcore_barrier()

        def per_chunk(cn, c2):
            pltpu.sync_copy(idx_hbm.at[b, s, pl.ds(cn * _NSTREAM, _NSTREAM)],
                            idx_v)
            pltpu.sync_copy(wgt_hbm.at[b, s, pl.ds(cn * _EC, _EC)],
                            wgt_v.at[pl.ds(0, _EC)])
            pltpu.sync_copy(vals_hbm.at[b, s, pl.ds(cn * _CHUNK, _CHUNK)],
                            vals_v)

            def per_rw(t, c3):
                lanes = lax.iota(jnp.int32, 16)
                jrow = jnp.full((16,), t // 8, jnp.int32)
                kcol = jnp.full((16,), 16 * (t % 8), jnp.int32) + lanes
                gi = plsc.load_gather(idx_v, [jrow, kcol])
                li = gi - jnp.full((16,), r * _RG, jnp.int32)
                rgf = jnp.full((16,), _RG, jnp.int32)
                ok = (li >= jnp.full((16,), 0, jnp.int32)) & (li < rgf)
                plsc.store_scatter(idx_loc, [jrow, kcol],
                                   jnp.where(ok, li, rgf))
                return c3

            lax.fori_loop(0, 8 * _NSTREAM, per_rw, 0)

            def emit(m):
                lanes = lax.iota(jnp.int32, 16)
                pat_a = lanes % 8
                pat_b = lanes // 8
                ent_i = jnp.full((16,), 2 * m, jnp.int32) + pat_b
                wpair = wgt_v[pl.ds(2 * m, 16)]
                w0 = jnp.full((16,), wpair[0], jnp.float32)
                w1 = jnp.full((16,), wpair[1], jnp.float32)
                wv = jnp.where(pat_b == jnp.full((16,), 0, jnp.int32),
                               w0, w1)
                col = jnp.minimum(jnp.full((16,), 8 * g, jnp.int32)
                                  + pat_a,
                                  jnp.full((16,), _C - 1, jnp.int32))
                row_i = jnp.full((16,), m // 2, jnp.int32)
                v8 = plsc.load_gather(vals_v, [row_i, col])
                ones = jnp.full((16,), 1.0, jnp.float32)
                zeros = jnp.full((16,), 0.0, jnp.float32)
                crow = jnp.where(pat_a == jnp.full((16,), 0, jnp.int32),
                                 ones, zeros)
                cmask = jnp.full((16,), g == _NG - 1)
                row = jnp.where(cmask, crow, v8) * wv
                plsc.store_scatter(rows_v, [ent_i, pat_a], row)

            def per_stream(j, c3):
                def per_ent2(mm, c4):
                    m0 = j * 64 + 4 * mm
                    emit(m0)
                    emit(m0 + 1)
                    emit(m0 + 2)
                    emit(m0 + 3)
                    return c4

                lax.fori_loop(0, 16, per_ent2, 0)
                pltpu.sync_copy(rows_v.at[pl.ds(j * 128, 128)],
                                canvas_sh.at[idx_loc.at[j]], add=True)
                return c3

            lax.fori_loop(0, _NSTREAM, per_stream, 0)
            return c2

        lax.fori_loop(0, _NCH, per_chunk, 0)
        plsc.subcore_barrier()
        pltpu.sync_copy(
            canvas_sh.at[pl.ds(s * _RSTRIPE, _RSTRIPE)],
            out_hbm.at[b, g, pl.ds(r * _RG + s * _RSTRIPE, _RSTRIPE)])
        return carry

    lax.fori_loop(0, 2 * _NR * _NG, per_pass, 0)


def _splat(idx_e, wgt_e, vals_p, zeros):
    return pl.kernel(
        _splat_body,
        out_type=jax.ShapeDtypeStruct((_BS, _NG, _HW, 8), jnp.float32),
        mesh=plsc.VectorSubcoreMesh(core_axis_name="c", subcore_axis_name="s"),
        scratch_types=[
            pltpu.VMEM_SHARED((_RG + 128, 8), jnp.float32),
        ],
        compiler_params=pltpu.CompilerParams(use_tc_tiling_on_sc=False,
                                             needs_layout_passes=False),
    )(idx_e, wgt_e, vals_p, zeros)


def _pool_body(cc_ref, out_ref):
    cc = cc_ref[0]
    conf = cc[_NG - 1, :, 0]
    mf = (conf > 0.0).astype(jnp.float32)
    scale = ((1.0 / jnp.maximum(conf, 1e-8)) * mf)[:, None]
    outs = []
    for g in range(_NG - 1):
        dm = cc[g] * scale
        outs.append(dm.reshape(2, _WO, 2, 8).sum(axis=(0, 2)))
    den = mf.reshape(2, _WO, 2).sum(axis=(0, 2))
    num = jnp.concatenate(outs, axis=-1)
    out_ref[0, 0] = num / jnp.maximum(den, 1.0)[:, None]


def _pool(canvas):
    return pl.pallas_call(
        _pool_body,
        grid=(_BS, _HO),
        in_specs=[
            pl.BlockSpec((1, _NG, 2 * _W, 8), lambda b, i: (b, 0, i, 0)),
        ],
        out_specs=pl.BlockSpec((1, 1, _WO, _C), lambda b, i: (b, i, 0, 0)),
        out_shape=jax.ShapeDtypeStruct((_BS, _HO, _WO, _C), jnp.float32),
    )(canvas)


def kernel(xyz, data, fov, h, w):
    z = xyz[..., 2]
    near = 0.99 * jnp.min(z, axis=1)
    far = jnp.quantile(z * (z < 100000.0).astype(z.dtype), 0.95, axis=1)
    far = jnp.maximum(far, near * 2.0)

    x, y = xyz[..., 0], xyz[..., 1]
    t = jnp.tan(fov * 0.5)[:, None]
    aspect = w / h
    nx = x / (z * t * aspect)
    ny = y / (z * t)
    n = near[:, None]
    f = far[:, None]
    nz = (f + n) / (f - n) - 2.0 * f * n / ((f - n) * z)

    viz = (jnp.abs(nx) <= 1.0) & (jnp.abs(ny) <= 1.0) & (nz >= -1.0) & (nz <= 1.0)
    u = (nx + 1.0) * 0.5 * (_W - 1)
    v = (ny + 1.0) * 0.5 * (_H - 1)
    u0 = jnp.floor(u)
    v0 = jnp.floor(v)
    du = u - u0
    dv = v - v0
    wz = jnp.exp(-2.5 * (nz + 1.0)) * viz.astype(jnp.float32)

    idx_list, wgt_list = [], []
    corners = ((0, 0, (1 - du) * (1 - dv)), (1, 0, du * (1 - dv)),
               (0, 1, (1 - du) * dv), (1, 1, du * dv))
    for di, dj, wc in corners:
        uu = u0 + di
        vv = v0 + dj
        inb = (uu >= 0) & (uu <= _W - 1) & (vv >= 0) & (vv <= _H - 1)
        wgt = wc * wz * inb.astype(jnp.float32)
        ui = jnp.clip(uu, 0, _W - 1).astype(jnp.int32)
        vi = jnp.clip(vv, 0, _H - 1).astype(jnp.int32)
        idx = jnp.where(wgt > 0.0, vi * _W + ui, _TRASH)
        idx_list.append(idx)
        wgt_list.append(wgt)

    idx_e = jnp.stack(idx_list, axis=-1).reshape(_BS, _NS, _P // _NS, 4)
    wgt_e = jnp.stack(wgt_list, axis=-1).reshape(_BS, _NS, _P // _NS, 4)
    pad = _PT - _P // _NS
    idx_e = jnp.pad(idx_e, ((0, 0), (0, 0), (0, pad), (0, 0)),
                    constant_values=_TRASH)
    wgt_e = jnp.pad(wgt_e, ((0, 0), (0, 0), (0, pad), (0, 0)))
    idx_e = idx_e.reshape(_BS, _NS, _PT * 4 // 128, 128)
    wgt_e = wgt_e.reshape(_BS, _NS, _PT * 4)

    vals_p = jnp.transpose(data, (0, 2, 1)).reshape(_BS, _NS, _P // _NS, _C)
    vals_p = jnp.pad(vals_p, ((0, 0), (0, 0), (0, pad), (0, 0)))

    zeros = jnp.zeros((_ZCH, 8), jnp.float32)
    canvas = _splat(idx_e, wgt_e, vals_p, zeros)
    out = _pool(canvas)
    return jnp.transpose(out, (0, 3, 1, 2))

# --- scband reference (transcript-rebuilt; emitter-appended) ---
"""Pipeline reference for scband-renderer-46471546143482 (READ-ONLY COPY).

The authoritative reference and input builder live on the scoring server;
editing this copy changes nothing except your own understanding.
"""

import jax, jax.numpy as jnp
import numpy as np

BS, P, C = 4, 100000, 16
H_OUT, W_OUT = 256, 256
AA = 2


def setup_inputs(seed: int = 0):
    key = jax.random.key(seed)
    k1, k2, k3, k4 = jax.random.split(key, 4)
    z = jax.random.uniform(k1, (BS, P, 1), dtype=jnp.float32, minval=1.0, maxval=10.0)
    xy = jax.random.uniform(k2, (BS, P, 2), dtype=jnp.float32, minval=-1.0, maxval=1.0)
    xyz = jnp.concatenate([xy * z * 0.5, z], axis=-1)
    data = jax.random.normal(k3, (BS, C, P), dtype=jnp.float32)
    fov = jax.random.uniform(k4, (BS,), dtype=jnp.float32, minval=0.7, maxval=1.2)
    return {"xyz": xyz, "data": data, "fov": fov, "h": H_OUT, "w": W_OUT}


def view2ndc(xyz, near, far, fov, aspect):
    x, y, z = xyz[..., 0], xyz[..., 1], xyz[..., 2]
    t = jnp.tan(fov * 0.5)[:, None]
    nx = x / (z * t * aspect)
    ny = y / (z * t)
    n = near[:, None]
    f = far[:, None]
    nz = (f + n) / (f - n) - 2.0 * f * n / ((f - n) * z)
    return jnp.stack([nx, ny, nz], axis=-1)


def splatter(ndc, data, H, W):
    bs, c, p = data.shape
    x, y, zn = ndc[..., 0], ndc[..., 1], ndc[..., 2]
    viz = (jnp.abs(x) <= 1.0) & (jnp.abs(y) <= 1.0) & (zn >= -1.0) & (zn <= 1.0)
    u = (x + 1.0) * 0.5 * (W - 1)
    v = (y + 1.0) * 0.5 * (H - 1)
    u0 = jnp.floor(u)
    v0 = jnp.floor(v)
    du = u - u0
    dv = v - v0
    wz = jnp.exp(-2.5 * (zn + 1.0)) * viz.astype(jnp.float32)
    vals = jnp.transpose(data, (0, 2, 1))
    boff = (jnp.arange(bs) * H * W)[:, None]
    canvas = jnp.zeros((bs * H * W, c), jnp.float32)
    conf = jnp.zeros((bs * H * W,), jnp.float32)
    corners = ((0, 0, (1 - du) * (1 - dv)), (1, 0, du * (1 - dv)),
               (0, 1, (1 - du) * dv), (1, 1, du * dv))
    for di, dj, wc in corners:
        uu = u0 + di
        vv = v0 + dj
        inb = (uu >= 0) & (uu <= W - 1) & (vv >= 0) & (vv <= H - 1)
        wgt = wc * wz * inb.astype(jnp.float32)
        ui = jnp.clip(uu, 0, W - 1).astype(jnp.int32)
        vi = jnp.clip(vv, 0, H - 1).astype(jnp.int32)
        idx = (boff + vi * W + ui).reshape(-1)
        canvas = canvas.at[idx].add((vals * wgt[..., None]).reshape(-1, c))
        conf = conf.at[idx].add(wgt.reshape(-1))
    dmap = canvas / jnp.maximum(conf, 1e-8)[:, None]
    dmap = jnp.transpose(dmap.reshape(bs, H, W, c), (0, 3, 1, 2))
    conf = conf.reshape(bs, 1, H, W)
    return dmap, conf, viz


def partial_avg_pool(x, mask, k):
    bs, c, H, W = x.shape
    m = mask.astype(jnp.float32)
    num = (x * m).reshape(bs, c, H // k, k, W // k, k).sum(axis=(3, 5))
    den = m.reshape(bs, 1, H // k, k, W // k, k).sum(axis=(3, 5))
    return num / jnp.maximum(den, 1.0)


def reference(xyz, data, fov, h, w):
    z = xyz[..., 2]
    near = 0.99 * jnp.min(z, axis=1)
    far = jnp.quantile(z * (z < 100000.0).astype(z.dtype), 0.95, axis=1)
    far = jnp.maximum(far, near * 2.0)
    ndc = view2ndc(xyz, near, far, fov, w / h)
    H, W = H_OUT * AA, W_OUT * AA
    dmap, conf, viz = splatter(ndc, data, H, W)
    mask = conf > 0
    out = partial_avg_pool(dmap, mask, AA)
    return out

if __name__ == "__main__":
    import jax
    _d = setup_inputs()
    print(jax.jit(kernel)(*tuple(_d.values())))

</pallas_src>

<mosaic_0001>
#map = affine_map<(d0, d1) -> (0, 0, 0, 0)>
#map1 = affine_map<(d0, d1) -> (0, 0, 0)>
#map2 = affine_map<(d0, d1) -> (0, 0)>
module attributes {stable_mosaic.version = 14 : i64} {
  func.func @_splat_body(%arg0: i32, %arg1: i32, %arg2: memref<4x16x200x128xi32, #tpu.memory_space<hbm>>, %arg3: memref<4x16x25600xf32, #tpu.memory_space<hbm>>, %arg4: memref<4x16x6400x16xf32, #tpu.memory_space<hbm>>, %arg5: memref<1024x8xf32, #tpu.memory_space<hbm>>, %arg6: memref<4x3x262144x8xf32, #tpu.memory_space<hbm>>, %arg7: memref<131200x8xf32, #tpu.memory_space<vmem_shared>>) attributes {dimension_semantics = [#tpu.dimension_semantics<core_parallel>, #tpu.dimension_semantics<subcore_parallel>], iteration_bounds = array<i64: 2, 16>, scalar_prefetch = 0 : i64, scratch_operands = 1 : i64, tpu.core_type = #tpu.core_type<sc_vector_subcore>, window_params = [{transform_indices = #map}, {transform_indices = #map1}, {transform_indices = #map}, {transform_indices = #map2}, {transform_indices = #map}]} {
    "tpu.region"() ({
      %run_scoped3A = memref.alloca() : memref<20x128xi32, #tpu.memory_space<vmem>>
      %run_scoped3A_0 = memref.alloca() : memref<20x128xi32, #tpu.memory_space<vmem>>
      %run_scoped3A_1 = memref.alloca() : memref<2576xf32, #tpu.memory_space<vmem>>
      %run_scoped3A_2 = memref.alloca() : memref<640x16xf32, #tpu.memory_space<vmem>>
      %run_scoped3A_3 = memref.alloca() : memref<2560x8xf32, #tpu.memory_space<vmem>>
      %run_scoped3A_4 = memref.alloca() : memref<1024x8xf32, #tpu.memory_space<vmem>>
      %run_scoped3A_5 = tpu.sem_alloc : memref<!tpu.dma_semaphore, #tpu.memory_space<semaphore_mem>>
      "tpu.region"() ({
        %run_scoped3A_11 = tpu.sem_alloc : memref<!tpu.dma_semaphore, #tpu.memory_space<semaphore_mem>>
        tpu.enqueue_dma source(%arg5 : memref<1024x8xf32, #tpu.memory_space<hbm>>) target(%run_scoped3A_4 : memref<1024x8xf32, #tpu.memory_space<vmem>>) target_semaphore(%run_scoped3A_11 : memref<!tpu.dma_semaphore, #tpu.memory_space<semaphore_mem>>)
        tpu.wait_dma2 semaphore(%run_scoped3A_11 : memref<!tpu.dma_semaphore, #tpu.memory_space<semaphore_mem>>) src(%arg5 : memref<1024x8xf32, #tpu.memory_space<hbm>>) dst(%run_scoped3A_4 : memref<1024x8xf32, #tpu.memory_space<vmem>>)
        tpu.yield
      }) : () -> ()
      %scan3A = arith.constant 0 : i32
      %scan3A_6 = arith.constant 0 : i32
      %scan3A_7 = arith.constant 12 : i32
      %scan3A_8 = arith.addi %scan3A_6, %scan3A_7 : i32
      %scan3A_9 = arith.constant 1 : i32
      scf.for %scan3A_11 = %scan3A_6 to %scan3A_8 step %scan3A_9  : i32 {
        %mul3A = arith.constant 2 : i32
        %mul3A_12 = arith.muli %mul3A, %arg0 : i32
        %jit3A = arith.constant 6 : i32
        %div3A = arith.divsi %scan3A_11, %jit3A : i32
        %sign3A = arith.constant 0 : i32
        %sign3A_13 = arith.cmpi sgt, %scan3A_11, %sign3A : i32
        %sign3A_14 = arith.extui %sign3A_13 : i1 to i32
        %sign3A_15 = arith.constant 0 : i32
        %sign3A_16 = arith.cmpi slt, %scan3A_11, %sign3A_15 : i32
        %sign3A_17 = arith.extui %sign3A_16 : i1 to i32
        %sign3A_18 = arith.subi %sign3A_14, %sign3A_17 : i32
        %sign3A_19 = arith.constant 0 : i32
        %sign3A_20 = arith.cmpi sgt, %jit3A, %sign3A_19 : i32
        %sign3A_21 = arith.extui %sign3A_20 : i1 to i32
        %sign3A_22 = arith.constant 0 : i32
        %sign3A_23 = arith.cmpi slt, %jit3A, %sign3A_22 : i32
        %sign3A_24 = arith.extui %sign3A_23 : i1 to i32
        %sign3A_25 = arith.subi %sign3A_21, %sign3A_24 : i32
        %ne3A = arith.cmpi ne, %sign3A_18, %sign3A_25 : i32
        %rem3A = arith.remsi %scan3A_11, %jit3A : i32
        %ne3A_26 = arith.constant 0 : i32
        %ne3A_27 = arith.cmpi ne, %rem3A, %ne3A_26 : i32
        %and3A = arith.andi %ne3A, %ne3A_27 : i1
        %sub3A = arith.constant 1 : i32
        %sub3A_28 = arith.subi %div3A, %sub3A : i32
        %select_n3A = arith.select %and3A, %sub3A_28, %div3A : i32
        %add3A = arith.addi %mul3A_12, %select_n3A : i32
        %jit3A_29 = arith.constant 3 : i32
        %div3A_30 = arith.divsi %scan3A_11, %jit3A_29 : i32
        %sign3A_31 = arith.constant 0 : i32
        %sign3A_32 = arith.cmpi sgt, %scan3A_11, %sign3A_31 : i32
        %sign3A_33 = arith.extui %sign3A_32 : i1 to i32
        %sign3A_34 = arith.constant 0 : i32
        %sign3A_35 = arith.cmpi slt, %scan3A_11, %sign3A_34 : i32
        %sign3A_36 = arith.extui %sign3A_35 : i1 to i32
        %sign3A_37 = arith.subi %sign3A_33, %sign3A_36 : i32
        %sign3A_38 = arith.constant 0 : i32
        %sign3A_39 = arith.cmpi sgt, %jit3A_29, %sign3A_38 : i32
        %sign3A_40 = arith.extui %sign3A_39 : i1 to i32
        %sign3A_41 = arith.constant 0 : i32
        %sign3A_42 = arith.cmpi slt, %jit3A_29, %sign3A_41 : i32
        %sign3A_43 = arith.extui %sign3A_42 : i1 to i32
        %sign3A_44 = arith.subi %sign3A_40, %sign3A_43 : i32
        %ne3A_45 = arith.cmpi ne, %sign3A_37, %sign3A_44 : i32
        %rem3A_46 = arith.remsi %scan3A_11, %jit3A_29 : i32
        %ne3A_47 = arith.constant 0 : i32
        %ne3A_48 = arith.cmpi ne, %rem3A_46, %ne3A_47 : i32
        %and3A_49 = arith.andi %ne3A_45, %ne3A_48 : i1
        %sub3A_50 = arith.constant 1 : i32
        %sub3A_51 = arith.subi %div3A_30, %sub3A_50 : i32
        %select_n3A_52 = arith.select %and3A_49, %sub3A_51, %div3A_30 : i32
        %jit3A_53 = arith.constant 2 : i32
        %eq3A = arith.constant 0 : i32
        %eq3A_54 = arith.cmpi eq, %jit3A_53, %eq3A : i32
        %jit3A_55 = arith.constant 1 : i32
        %select_n3A_56 = arith.select %eq3A_54, %jit3A_55, %jit3A_53 : i32
        %rem3A_57 = arith.remsi %select_n3A_52, %select_n3A_56 : i32
        %ne3A_58 = arith.constant 0 : i32
        %ne3A_59 = arith.cmpi ne, %rem3A_57, %ne3A_58 : i32
        %lt3A = arith.constant 0 : i32
        %lt3A_60 = arith.cmpi slt, %rem3A_57, %lt3A : i32
        %lt3A_61 = arith.constant 0 : i32
        %lt3A_62 = arith.cmpi slt, %select_n3A_56, %lt3A_61 : i32
        %ne3A_63 = arith.xori %lt3A_60, %lt3A_62 : i1
        %and3A_64 = arith.andi %ne3A_63, %ne3A_59 : i1
        %add3A_65 = arith.addi %rem3A_57, %select_n3A_56 : i32
        %select_n3A_66 = arith.select %and3A_64, %add3A_65, %rem3A_57 : i32
        %jit3A_67 = arith.constant 3 : i32
        %eq3A_68 = arith.constant 0 : i32
        %eq3A_69 = arith.cmpi eq, %jit3A_67, %eq3A_68 : i32
        %jit3A_70 = arith.constant 1 : i32
        %select_n3A_71 = arith.select %eq3A_69, %jit3A_70, %jit3A_67 : i32
        %rem3A_72 = arith.remsi %scan3A_11, %select_n3A_71 : i32
        %ne3A_73 = arith.constant 0 : i32
        %ne3A_74 = arith.cmpi ne, %rem3A_72, %ne3A_73 : i32
        %lt3A_75 = arith.constant 0 : i32
        %lt3A_76 = arith.cmpi slt, %rem3A_72, %lt3A_75 : i32
        %lt3A_77 = arith.constant 0 : i32
        %lt3A_78 = arith.cmpi slt, %select_n3A_71, %lt3A_77 : i32
        %ne3A_79 = arith.xori %lt3A_76, %lt3A_78 : i1
        %and3A_80 = arith.andi %ne3A_79, %ne3A_74 : i1
        %add3A_81 = arith.addi %rem3A_72, %select_n3A_71 : i32
        %select_n3A_82 = arith.select %and3A_80, %add3A_81, %rem3A_72 : i32
        %scan3A_83 = arith.constant 0 : i32
        %scan3A_84 = arith.constant 0 : i32
        %scan3A_85 = arith.constant 8 : i32
        %scan3A_86 = arith.addi %scan3A_84, %scan3A_85 : i32
        %scan3A_87 = arith.constant 1 : i32
        scf.for %scan3A_103 = %scan3A_84 to %scan3A_86 step %scan3A_87  : i32 {
          %mul3A_104 = arith.constant 8192 : i32
          %mul3A_105 = arith.muli %arg1, %mul3A_104 : i32
          %mul3A_106 = arith.constant 1024 : i32
          %mul3A_107 = arith.muli %scan3A_103, %mul3A_106 : i32
          %add3A_108 = arith.addi %mul3A_105, %mul3A_107 : i32
          "tpu.region"() ({
            %run_scoped3A_109 = tpu.sem_alloc : memref<!tpu.dma_semaphore, #tpu.memory_space<semaphore_mem>>
            %dma_start3A = arith.constant 0 : i32
            %dma_start3A_110 = tpu.memref_slice %arg7[%add3A_108, %dma_start3A] : memref<131200x8xf32, #tpu.memory_space<vmem_shared>> -> memref<1024x8xf32, #tpu.memory_space<vmem_shared>>
            %dma_start3A_111 = arith.constant 0 : i32
            %dma_start3A_112 = tpu.memref_slice %arg7[%add3A_108, %dma_start3A_111] : memref<131200x8xf32, #tpu.memory_space<vmem_shared>> -> memref<1024x8xf32, #tpu.memory_space<vmem_shared>>
            tpu.enqueue_dma source(%run_scoped3A_4 : memref<1024x8xf32, #tpu.memory_space<vmem>>) target(%dma_start3A_112 : memref<1024x8xf32, #tpu.memory_space<vmem_shared>>) target_semaphore(%run_scoped3A_109 : memref<!tpu.dma_semaphore, #tpu.memory_space<semaphore_mem>>)
            %dma_wait3A = arith.constant 0 : i32
            %dma_wait3A_113 = tpu.memref_slice %arg7[%add3A_108, %dma_wait3A] : memref<131200x8xf32, #tpu.memory_space<vmem_shared>> -> memref<1024x8xf32, #tpu.memory_space<vmem_shared>>
            %dma_wait3A_114 = arith.constant 0 : i32
            %dma_wait3A_115 = tpu.memref_slice %arg7[%add3A_108, %dma_wait3A_114] : memref<131200x8xf32, #tpu.memory_space<vmem_shared>> -> memref<1024x8xf32, #tpu.memory_space<vmem_shared>>
            tpu.wait_dma2 semaphore(%run_scoped3A_109 : memref<!tpu.dma_semaphore, #tpu.memory_space<semaphore_mem>>) src(%run_scoped3A_4 : memref<1024x8xf32, #tpu.memory_space<vmem>>) dst(%dma_wait3A_115 : memref<1024x8xf32, #tpu.memory_space<vmem_shared>>)
            tpu.yield
          }) : () -> ()
        }
        %scan3A_88 = arith.constant 8 : i32
        %barrier3A = arith.constant 0 : index
        tpu.barrier barrier_id(%barrier3A)
        %scan3A_89 = arith.constant 0 : i32
        %scan3A_90 = arith.constant 0 : i32
        %scan3A_91 = arith.constant 10 : i32
        %scan3A_92 = arith.addi %scan3A_90, %scan3A_91 : i32
        %scan3A_93 = arith.constant 1 : i32
        scf.for %scan3A_103 = %scan3A_90 to %scan3A_92 step %scan3A_93  : i32 {
          %mul3A_104 = arith.constant 20 : i32
          %mul3A_105 = arith.muli %scan3A_103, %mul3A_104 : i32
          "tpu.region"() ({
            %run_scoped3A_122 = tpu.sem_alloc : memref<!tpu.dma_semaphore, #tpu.memory_space<semaphore_mem>>
            %dma_start3A = arith.constant 0 : i32
            %dma_start3A_123 = tpu.memref_slice %arg2[%add3A, %arg1, %mul3A_105, %dma_start3A] : memref<4x16x200x128xi32, #tpu.memory_space<hbm>> -> memref<1x1x20x128xi32, #tpu.memory_space<hbm>>
            %dma_start3A_124 = tpu.memref_squeeze %dma_start3A_123 : memref<1x1x20x128xi32, #tpu.memory_space<hbm>> -> memref<20x128xi32, #tpu.memory_space<hbm>>
            %dma_start3A_125 = arith.constant 0 : i32
            %dma_start3A_126 = tpu.memref_slice %arg2[%add3A, %arg1, %mul3A_105, %dma_start3A_125] : memref<4x16x200x128xi32, #tpu.memory_space<hbm>> -> memref<1x1x20x128xi32, #tpu.memory_space<hbm>>
            %dma_start3A_127 = tpu.memref_squeeze %dma_start3A_126 : memref<1x1x20x128xi32, #tpu.memory_space<hbm>> -> memref<20x128xi32, #tpu.memory_space<hbm>>
            tpu.enqueue_dma source(%dma_start3A_127 : memref<20x128xi32, #tpu.memory_space<hbm>>) target(%run_scoped3A : memref<20x128xi32, #tpu.memory_space<vmem>>) target_semaphore(%run_scoped3A_122 : memref<!tpu.dma_semaphore, #tpu.memory_space<semaphore_mem>>)
            %dma_wait3A = arith.constant 0 : i32
            %dma_wait3A_128 = tpu.memref_slice %arg2[%add3A, %arg1, %mul3A_105, %dma_wait3A] : memref<4x16x200x128xi32, #tpu.memory_space<hbm>> -> memref<1x1x20x128xi32, #tpu.memory_space<hbm>>
            %dma_wait3A_129 = tpu.memref_squeeze %dma_wait3A_128 : memref<1x1x20x128xi32, #tpu.memory_space<hbm>> -> memref<20x128xi32, #tpu.memory_space<hbm>>
            %dma_wait3A_130 = arith.constant 0 : i32
            %dma_wait3A_131 = tpu.memref_slice %arg2[%add3A, %arg1, %mul3A_105, %dma_wait3A_130] : memref<4x16x200x128xi32, #tpu.memory_space<hbm>> -> memref<1x1x20x128xi32, #tpu.memory_space<hbm>>
            %dma_wait3A_132 = tpu.memref_squeeze %dma_wait3A_131 : memref<1x1x20x128xi32, #tpu.memory_space<hbm>> -> memref<20x128xi32, #tpu.memory_space<hbm>>
            tpu.wait_dma2 semaphore(%run_scoped3A_122 : memref<!tpu.dma_semaphore, #tpu.memory_space<semaphore_mem>>) src(%dma_wait3A_132 : memref<20x128xi32, #tpu.memory_space<hbm>>) dst(%run_scoped3A : memref<20x128xi32, #tpu.memory_space<vmem>>)
            tpu.yield
          }) : () -> ()
          %mul3A_106 = arith.constant 2560 : i32
          %mul3A_107 = arith.muli %scan3A_103, %mul3A_106 : i32
          "tpu.region"() ({
            %run_scoped3A_122 = tpu.sem_alloc : memref<!tpu.dma_semaphore, #tpu.memory_space<semaphore_mem>>
            %dma_start3A = arith.constant 0 : i32
            %dma_start3A_123 = tpu.memref_slice %run_scoped3A_1[%dma_start3A] : memref<2576xf32, #tpu.memory_space<vmem>> -> memref<2560xf32, #tpu.memory_space<vmem>>
            %dma_start3A_124 = tpu.memref_slice %arg3[%add3A, %arg1, %mul3A_107] : memref<4x16x25600xf32, #tpu.memory_space<hbm>> -> memref<1x1x2560xf32, #tpu.memory_space<hbm>>
            %dma_start3A_125 = tpu.memref_squeeze %dma_start3A_124 : memref<1x1x2560xf32, #tpu.memory_space<hbm>> -> memref<2560xf32, #tpu.memory_space<hbm>>
            %dma_start3A_126 = arith.constant 0 : i32
            %dma_start3A_127 = tpu.memref_slice %run_scoped3A_1[%dma_start3A_126] : memref<2576xf32, #tpu.memory_space<vmem>> -> memref<2560xf32, #tpu.memory_space<vmem>>
            %dma_start3A_128 = tpu.memref_slice %arg3[%add3A, %arg1, %mul3A_107] : memref<4x16x25600xf32, #tpu.memory_space<hbm>> -> memref<1x1x2560xf32, #tpu.memory_space<hbm>>
            %dma_start3A_129 = tpu.memref_squeeze %dma_start3A_128 : memref<1x1x2560xf32, #tpu.memory_space<hbm>> -> memref<2560xf32, #tpu.memory_space<hbm>>
            tpu.enqueue_dma source(%dma_start3A_129 : memref<2560xf32, #tpu.memory_space<hbm>>) target(%dma_start3A_127 : memref<2560xf32, #tpu.memory_space<vmem>>) target_semaphore(%run_scoped3A_122 : memref<!tpu.dma_semaphore, #tpu.memory_space<semaphore_mem>>)
            %dma_wait3A = arith.constant 0 : i32
            %dma_wait3A_130 = tpu.memref_slice %run_scoped3A_1[%dma_wait3A] : memref<2576xf32, #tpu.memory_space<vmem>> -> memref<2560xf32, #tpu.memory_space<vmem>>
            %dma_wait3A_131 = tpu.memref_slice %arg3[%add3A, %arg1, %mul3A_107] : memref<4x16x25600xf32, #tpu.memory_space<hbm>> -> memref<1x1x2560xf32, #tpu.memory_space<hbm>>
            %dma_wait3A_132 = tpu.memref_squeeze %dma_wait3A_131 : memref<1x1x2560xf32, #tpu.memory_space<hbm>> -> memref<2560xf32, #tpu.memory_space<hbm>>
            %dma_wait3A_133 = arith.constant 0 : i32
            %dma_wait3A_134 = tpu.memref_slice %run_scoped3A_1[%dma_wait3A_133] : memref<2576xf32, #tpu.memory_space<vmem>> -> memref<2560xf32, #tpu.memory_space<vmem>>
            %dma_wait3A_135 = tpu.memref_slice %arg3[%add3A, %arg1, %mul3A_107] : memref<4x16x25600xf32, #tpu.memory_space<hbm>> -> memref<1x1x2560xf32, #tpu.memory_space<hbm>>
            %dma_wait3A_136 = tpu.memref_squeeze %dma_wait3A_135 : memref<1x1x2560xf32, #tpu.memory_space<hbm>> -> memref<2560xf32, #tpu.memory_space<hbm>>
            tpu.wait_dma2 semaphore(%run_scoped3A_122 : memref<!tpu.dma_semaphore, #tpu.memory_space<semaphore_mem>>) src(%dma_wait3A_136 : memref<2560xf32, #tpu.memory_space<hbm>>) dst(%dma_wait3A_134 : memref<2560xf32, #tpu.memory_space<vmem>>)
            tpu.yield
          }) : () -> ()
          %mul3A_108 = arith.constant 640 : i32
          %mul3A_109 = arith.muli %scan3A_103, %mul3A_108 : i32
          "tpu.region"() ({
            %run_scoped3A_122 = tpu.sem_alloc : memref<!tpu.dma_semaphore, #tpu.memory_space<semaphore_mem>>
            %dma_start3A = arith.constant 0 : i32
            %dma_start3A_123 = tpu.memref_slice %arg4[%add3A, %arg1, %mul3A_109, %dma_start3A] : memref<4x16x6400x16xf32, #tpu.memory_space<hbm>> -> memref<1x1x640x16xf32, #tpu.memory_space<hbm>>
            %dma_start3A_124 = tpu.memref_squeeze %dma_start3A_123 : memref<1x1x640x16xf32, #tpu.memory_space<hbm>> -> memref<640x16xf32, #tpu.memory_space<hbm>>
            %dma_start3A_125 = arith.constant 0 : i32
            %dma_start3A_126 = tpu.memref_slice %arg4[%add3A, %arg1, %mul3A_109, %dma_start3A_125] : memref<4x16x6400x16xf32, #tpu.memory_space<hbm>> -> memref<1x1x640x16xf32, #tpu.memory_space<hbm>>
            %dma_start3A_127 = tpu.memref_squeeze %dma_start3A_126 : memref<1x1x640x16xf32, #tpu.memory_space<hbm>> -> memref<640x16xf32, #tpu.memory_space<hbm>>
            tpu.enqueue_dma source(%dma_start3A_127 : memref<640x16xf32, #tpu.memory_space<hbm>>) target(%run_scoped3A_2 : memref<640x16xf32, #tpu.memory_space<vmem>>) target_semaphore(%run_scoped3A_122 : memref<!tpu.dma_semaphore, #tpu.memory_space<semaphore_mem>>)
            %dma_wait3A = arith.constant 0 : i32
            %dma_wait3A_128 = tpu.memref_slice %arg4[%add3A, %arg1, %mul3A_109, %dma_wait3A] : memref<4x16x6400x16xf32, #tpu.memory_space<hbm>> -> memref<1x1x640x16xf32, #tpu.memory_space<hbm>>
            %dma_wait3A_129 = tpu.memref_squeeze %dma_wait3A_128 : memref<1x1x640x16xf32, #tpu.memory_space<hbm>> -> memref<640x16xf32, #tpu.memory_space<hbm>>
            %dma_wait3A_130 = arith.constant 0 : i32
            %dma_wait3A_131 = tpu.memref_slice %arg4[%add3A, %arg1, %mul3A_109, %dma_wait3A_130] : memref<4x16x6400x16xf32, #tpu.memory_space<hbm>> -> memref<1x1x640x16xf32, #tpu.memory_space<hbm>>
            %dma_wait3A_132 = tpu.memref_squeeze %dma_wait3A_131 : memref<1x1x640x16xf32, #tpu.memory_space<hbm>> -> memref<640x16xf32, #tpu.memory_space<hbm>>
            tpu.wait_dma2 semaphore(%run_scoped3A_122 : memref<!tpu.dma_semaphore, #tpu.memory_space<semaphore_mem>>) src(%dma_wait3A_132 : memref<640x16xf32, #tpu.memory_space<hbm>>) dst(%run_scoped3A_2 : memref<640x16xf32, #tpu.memory_space<vmem>>)
            tpu.yield
          }) : () -> ()
          %scan3A_110 = arith.constant 0 : i32
          %scan3A_111 = arith.constant 0 : i32
          %scan3A_112 = arith.constant 160 : i32
          %scan3A_113 = arith.addi %scan3A_111, %scan3A_112 : i32
          %scan3A_114 = arith.constant 1 : i32
          scf.for %scan3A_122 = %scan3A_111 to %scan3A_113 step %scan3A_114  : i32 {
            %iota3A = tpu.iota {dimensions = array<i32: 0>} : vector<16xi32>
            %jit3A_123 = arith.constant 8 : i32
            %div3A_124 = arith.divsi %scan3A_122, %jit3A_123 : i32
            %sign3A_125 = arith.constant 0 : i32
            %sign3A_126 = arith.cmpi sgt, %scan3A_122, %sign3A_125 : i32
            %sign3A_127 = arith.extui %sign3A_126 : i1 to i32
            %sign3A_128 = arith.constant 0 : i32
            %sign3A_129 = arith.cmpi slt, %scan3A_122, %sign3A_128 : i32
            %sign3A_130 = arith.extui %sign3A_129 : i1 to i32
            %sign3A_131 = arith.subi %sign3A_127, %sign3A_130 : i32
            %sign3A_132 = arith.constant 0 : i32
            %sign3A_133 = arith.cmpi sgt, %jit3A_123, %sign3A_132 : i32
            %sign3A_134 = arith.extui %sign3A_133 : i1 to i32
            %sign3A_135 = arith.constant 0 : i32
            %sign3A_136 = arith.cmpi slt, %jit3A_123, %sign3A_135 : i32
            %sign3A_137 = arith.extui %sign3A_136 : i1 to i32
            %sign3A_138 = arith.subi %sign3A_134, %sign3A_137 : i32
            %ne3A_139 = arith.cmpi ne, %sign3A_131, %sign3A_138 : i32
            %rem3A_140 = arith.remsi %scan3A_122, %jit3A_123 : i32
            %ne3A_141 = arith.constant 0 : i32
            %ne3A_142 = arith.cmpi ne, %rem3A_140, %ne3A_141 : i32
            %and3A_143 = arith.andi %ne3A_139, %ne3A_142 : i1
            %sub3A_144 = arith.constant 1 : i32
            %sub3A_145 = arith.subi %div3A_124, %sub3A_144 : i32
            %select_n3A_146 = arith.select %and3A_143, %sub3A_145, %div3A_124 : i32
            %broadcast_in_dim3A = vector.broadcast %select_n3A_146 : i32 to vector<16xi32>
            %jit3A_147 = arith.constant 8 : i32
            %eq3A_148 = arith.constant 0 : i32
            %eq3A_149 = arith.cmpi eq, %jit3A_147, %eq3A_148 : i32
            %jit3A_150 = arith.constant 1 : i32
            %select_n3A_151 = arith.select %eq3A_149, %jit3A_150, %jit3A_147 : i32
            %rem3A_152 = arith.remsi %scan3A_122, %select_n3A_151 : i32
            %ne3A_153 = arith.constant 0 : i32
            %ne3A_154 = arith.cmpi ne, %rem3A_152, %ne3A_153 : i32
            %lt3A_155 = arith.constant 0 : i32
            %lt3A_156 = arith.cmpi slt, %rem3A_152, %lt3A_155 : i32
            %lt3A_157 = arith.constant 0 : i32
            %lt3A_158 = arith.cmpi slt, %select_n3A_151, %lt3A_157 : i32
            %ne3A_159 = arith.xori %lt3A_156, %lt3A_158 : i1
            %and3A_160 = arith.andi %ne3A_159, %ne3A_154 : i1
            %add3A_161 = arith.addi %rem3A_152, %select_n3A_151 : i32
            %select_n3A_162 = arith.select %and3A_160, %add3A_161, %rem3A_152 : i32
            %mul3A_163 = arith.constant 16 : i32
            %mul3A_164 = arith.muli %mul3A_163, %select_n3A_162 : i32
            %broadcast_in_dim3A_165 = vector.broadcast %mul3A_164 : i32 to vector<16xi32>
            %add3A_166 = arith.addi %broadcast_in_dim3A_165, %iota3A : vector<16xi32>
            %gather3A = tpu.vector_load_idx %run_scoped3A[%broadcast_in_dim3A, %add3A_166] : memref<20x128xi32, #tpu.memory_space<vmem>>[vector<16xi32>, vector<16xi32>], vector<16xi32>,
            %mul3A_167 = arith.constant 131072 : i32
            %mul3A_168 = arith.muli %select_n3A_66, %mul3A_167 : i32
            %broadcast_in_dim3A_169 = vector.broadcast %mul3A_168 : i32 to vector<16xi32>
            %sub3A_170 = arith.subi %gather3A, %broadcast_in_dim3A_169 : vector<16xi32>
            %broadcast_in_dim3A_171 = arith.constant 131072 : i32
            %broadcast_in_dim3A_172 = vector.broadcast %broadcast_in_dim3A_171 : i32 to vector<16xi32>
            %broadcast_in_dim3A_173 = arith.constant 0 : i32
            %broadcast_in_dim3A_174 = vector.broadcast %broadcast_in_dim3A_173 : i32 to vector<16xi32>
            %ge3A = arith.cmpi sge, %sub3A_170, %broadcast_in_dim3A_174 : vector<16xi32>
            %lt3A_175 = arith.cmpi slt, %sub3A_170, %broadcast_in_dim3A_172 : vector<16xi32>
            %and3A_176 = arith.andi %ge3A, %lt3A_175 : vector<16xi1>
            %select_n3A_177 = arith.select %and3A_176, %sub3A_170, %broadcast_in_dim3A_172 : vector<16xi1>, vector<16xi32>
            tpu.vector_store_idx %run_scoped3A_0[%broadcast_in_dim3A, %add3A_166], %select_n3A_177 : memref<20x128xi32, #tpu.memory_space<vmem>>[vector<16xi32>, vector<16xi32>], vector<16xi32>,
          }
          %scan3A_115 = arith.constant 160 : i32
          %scan3A_116 = arith.constant 0 : i32
          %scan3A_117 = arith.constant 0 : i32
          %scan3A_118 = arith.constant 20 : i32
          %scan3A_119 = arith.addi %scan3A_117, %scan3A_118 : i32
          %scan3A_120 = arith.constant 1 : i32
          scf.for %scan3A_122 = %scan3A_117 to %scan3A_119 step %scan3A_120  : i32 {
            %scan3A_123 = arith.constant 0 : i32
            %scan3A_124 = arith.constant 0 : i32
            %scan3A_125 = arith.constant 16 : i32
            %scan3A_126 = arith.addi %scan3A_124, %scan3A_125 : i32
            %scan3A_127 = arith.constant 1 : i32
            scf.for %scan3A_131 = %scan3A_124 to %scan3A_126 step %scan3A_127  : i32 {
              %mul3A_132 = arith.constant 64 : i32
              %mul3A_133 = arith.muli %scan3A_122, %mul3A_132 : i32
              %mul3A_134 = arith.constant 4 : i32
              %mul3A_135 = arith.muli %mul3A_134, %scan3A_131 : i32
              %add3A_136 = arith.addi %mul3A_133, %mul3A_135 : i32
              %iota3A = tpu.iota {dimensions = array<i32: 0>} : vector<16xi32>
              %jit3A_137 = arith.constant 8 : i32
              %eq3A_138 = arith.constant 0 : i32
              %eq3A_139 = arith.cmpi eq, %jit3A_137, %eq3A_138 : i32
              %jit3A_140 = arith.constant 1 : i32
              %select_n3A_141 = arith.select %eq3A_139, %jit3A_140, %jit3A_137 : i32
              %rem3A_142 = vector.broadcast %select_n3A_141 : i32 to vector<16xi32>
              %rem3A_143 = arith.remsi %iota3A, %rem3A_142 : vector<16xi32>
              %ne3A_144 = arith.constant 0 : i32
              %ne3A_145 = vector.broadcast %ne3A_144 : i32 to vector<16xi32>
              %ne3A_146 = arith.cmpi ne, %rem3A_143, %ne3A_145 : vector<16xi32>
              %lt3A_147 = arith.constant 0 : i32
              %lt3A_148 = vector.broadcast %lt3A_147 : i32 to vector<16xi32>
              %lt3A_149 = arith.cmpi slt, %rem3A_143, %lt3A_148 : vector<16xi32>
              %lt3A_150 = arith.constant 0 : i32
              %lt3A_151 = arith.cmpi slt, %select_n3A_141, %lt3A_150 : i32
              %ne3A_152 = vector.broadcast %lt3A_151 : i1 to vector<16xi1>
              %ne3A_153 = vector.broadcast %ne3A_152 : vector<16xi1> to vector<16xi1>
              %ne3A_154 = arith.xori %lt3A_149, %ne3A_153 : vector<16xi1>
              %and3A_155 = arith.andi %ne3A_154, %ne3A_146 : vector<16xi1>
              %add3A_156 = vector.broadcast %select_n3A_141 : i32 to vector<16xi32>
              %add3A_157 = arith.addi %rem3A_143, %add3A_156 : vector<16xi32>
              %select_n3A_158 = arith.select %and3A_155, %add3A_157, %rem3A_143 : vector<16xi1>, vector<16xi32>
              %jit3A_159 = arith.constant 8 : i32
              %div3A_160 = vector.broadcast %jit3A_159 : i32 to vector<16xi32>
              %div3A_161 = arith.divsi %iota3A, %div3A_160 : vector<16xi32>
              %sign3A_162 = arith.constant 0 : i32
              %sign3A_163 = vector.broadcast %sign3A_162 : i32 to vector<16xi32>
              %sign3A_164 = arith.cmpi sgt, %iota3A, %sign3A_163 : vector<16xi32>
              %sign3A_165 = arith.extui %sign3A_164 : vector<16xi1> to vector<16xi32>
              %sign3A_166 = arith.constant 0 : i32
              %sign3A_167 = vector.broadcast %sign3A_166 : i32 to vector<16xi32>
              %sign3A_168 = arith.cmpi slt, %iota3A, %sign3A_167 : vector<16xi32>
              %sign3A_169 = arith.extui %sign3A_168 : vector<16xi1> to vector<16xi32>
              %sign3A_170 = arith.subi %sign3A_165, %sign3A_169 : vector<16xi32>
              %sign3A_171 = arith.constant 0 : i32
              %sign3A_172 = arith.cmpi sgt, %jit3A_159, %sign3A_171 : i32
              %sign3A_173 = arith.extui %sign3A_172 : i1 to i32
              %sign3A_174 = arith.constant 0 : i32
              %sign3A_175 = arith.cmpi slt, %jit3A_159, %sign3A_174 : i32
              %sign3A_176 = arith.extui %sign3A_175 : i1 to i32
              %sign3A_177 = arith.subi %sign3A_173, %sign3A_176 : i32
              %ne3A_178 = vector.broadcast %sign3A_177 : i32 to vector<16xi32>
              %ne3A_179 = arith.cmpi ne, %sign3A_170, %ne3A_178 : vector<16xi32>
              %rem3A_180 = vector.broadcast %jit3A_159 : i32 to vector<16xi32>
              %rem3A_181 = arith.remsi %iota3A, %rem3A_180 : vector<16xi32>
              %ne3A_182 = arith.constant 0 : i32
              %ne3A_183 = vector.broadcast %ne3A_182 : i32 to vector<16xi32>
              %ne3A_184 = arith.cmpi ne, %rem3A_181, %ne3A_183 : vector<16xi32>
              %and3A_185 = arith.andi %ne3A_179, %ne3A_184 : vector<16xi1>
              %sub3A_186 = arith.constant 1 : i32
              %sub3A_187 = vector.broadcast %sub3A_186 : i32 to vector<16xi32>
              %sub3A_188 = arith.subi %div3A_161, %sub3A_187 : vector<16xi32>
              %select_n3A_189 = arith.select %and3A_185, %sub3A_188, %div3A_161 : vector<16xi1>, vector<16xi32>
              %mul3A_190 = arith.constant 2 : i32
              %mul3A_191 = arith.muli %mul3A_190, %add3A_136 : i32
              %broadcast_in_dim3A = vector.broadcast %mul3A_191 : i32 to vector<16xi32>
              %add3A_192 = arith.addi %broadcast_in_dim3A, %select_n3A_189 : vector<16xi32>
              %mul3A_193 = arith.constant 2 : i32
              %mul3A_194 = arith.muli %mul3A_193, %add3A_136 : i32
              %get3A = arith.index_cast %mul3A_194 : i32 to index
              %get3A_195 = tpu.vector_load %run_scoped3A_1[%get3A] {strides = array<i32>} : memref<2576xf32, #tpu.memory_space<vmem>>, vector<16xf32>,
              %slice3A = vector.extract_strided_slice %get3A_195 {offsets = [0], sizes = [1], strides = [1]} : vector<16xf32> to vector<1xf32>
              %squeeze3A = vector.extract %slice3A[0] : f32 from vector<1xf32>
              %broadcast_in_dim3A_196 = vector.broadcast %squeeze3A : f32 to vector<16xf32>
              %slice3A_197 = vector.extract_strided_slice %get3A_195 {offsets = [1], sizes = [1], strides = [1]} : vector<16xf32> to vector<1xf32>
              %squeeze3A_198 = vector.extract %slice3A_197[0] : f32 from vector<1xf32>
              %broadcast_in_dim3A_199 = vector.broadcast %squeeze3A_198 : f32 to vector<16xf32>
              %broadcast_in_dim3A_200 = arith.constant 0 : i32
              %broadcast_in_dim3A_201 = vector.broadcast %broadcast_in_dim3A_200 : i32 to vector<16xi32>
              %eq3A_202 = arith.cmpi eq, %select_n3A_189, %broadcast_in_dim3A_201 : vector<16xi32>
              %select_n3A_203 = arith.select %eq3A_202, %broadcast_in_dim3A_196, %broadcast_in_dim3A_199 : vector<16xi1>, vector<16xf32>
              %mul3A_204 = arith.constant 8 : i32
              %mul3A_205 = arith.muli %mul3A_204, %select_n3A_82 : i32
              %broadcast_in_dim3A_206 = vector.broadcast %mul3A_205 : i32 to vector<16xi32>
              %add3A_207 = arith.addi %broadcast_in_dim3A_206, %select_n3A_158 : vector<16xi32>
              %broadcast_in_dim3A_208 = arith.constant 15 : i32
              %broadcast_in_dim3A_209 = vector.broadcast %broadcast_in_dim3A_208 : i32 to vector<16xi32>
              %min3A = arith.minsi %add3A_207, %broadcast_in_dim3A_209 : vector<16xi32>
              %jit3A_210 = arith.constant 2 : i32
              %div3A_211 = arith.divsi %add3A_136, %jit3A_210 : i32
              %sign3A_212 = arith.constant 0 : i32
              %sign3A_213 = arith.cmpi sgt, %add3A_136, %sign3A_212 : i32
              %sign3A_214 = arith.extui %sign3A_213 : i1 to i32
              %sign3A_215 = arith.constant 0 : i32
              %sign3A_216 = arith.cmpi slt, %add3A_136, %sign3A_215 : i32
              %sign3A_217 = arith.extui %sign3A_216 : i1 to i32
              %sign3A_218 = arith.subi %sign3A_214, %sign3A_217 : i32
              %sign3A_219 = arith.constant 0 : i32
              %sign3A_220 = arith.cmpi sgt, %jit3A_210, %sign3A_219 : i32
              %sign3A_221 = arith.extui %sign3A_220 : i1 to i32
              %sign3A_222 = arith.constant 0 : i32
              %sign3A_223 = arith.cmpi slt, %jit3A_210, %sign3A_222 : i32
              %sign3A_224 = arith.extui %sign3A_223 : i1 to i32
              %sign3A_225 = arith.subi %sign3A_221, %sign3A_224 : i32
              %ne3A_226 = arith.cmpi ne, %sign3A_218, %sign3A_225 : i32
              %rem3A_227 = arith.remsi %add3A_136, %jit3A_210 : i32
              %ne3A_228 = arith.constant 0 : i32
              %ne3A_229 = arith.cmpi ne, %rem3A_227, %ne3A_228 : i32
              %and3A_230 = arith.andi %ne3A_226, %ne3A_229 : i1
              %sub3A_231 = arith.constant 1 : i32
              %sub3A_232 = arith.subi %div3A_211, %sub3A_231 : i32
              %select_n3A_233 = arith.select %and3A_230, %sub3A_232, %div3A_211 : i32
              %broadcast_in_dim3A_234 = vector.broadcast %select_n3A_233 : i32 to vector<16xi32>
              %gather3A = tpu.vector_load_idx %run_scoped3A_2[%broadcast_in_dim3A_234, %min3A] : memref<640x16xf32, #tpu.memory_space<vmem>>[vector<16xi32>, vector<16xi32>], vector<16xf32>,
              %broadcast_in_dim3A_235 = arith.constant 1.000000e+00 : f32
              %broadcast_in_dim3A_236 = vector.broadcast %broadcast_in_dim3A_235 : f32 to vector<16xf32>
              %broadcast_in_dim3A_237 = arith.constant 0.000000e+00 : f32
              %broadcast_in_dim3A_238 = vector.broadcast %broadcast_in_dim3A_237 : f32 to vector<16xf32>
              %broadcast_in_dim3A_239 = arith.constant 0 : i32
              %broadcast_in_dim3A_240 = vector.broadcast %broadcast_in_dim3A_239 : i32 to vector<16xi32>
              %eq3A_241 = arith.cmpi eq, %select_n3A_158, %broadcast_in_dim3A_240 : vector<16xi32>
              %select_n3A_242 = arith.select %eq3A_241, %broadcast_in_dim3A_236, %broadcast_in_dim3A_238 : vector<16xi1>, vector<16xf32>
              %eq3A_243 = arith.constant 2 : i32
              %eq3A_244 = arith.cmpi eq, %select_n3A_82, %eq3A_243 : i32
              %broadcast_in_dim3A_245 = vector.broadcast %eq3A_244 : i1 to vector<16xi1>
              %select_n3A_246 = arith.select %broadcast_in_dim3A_245, %select_n3A_242, %gather3A : vector<16xi1>, vector<16xf32>
              %mul3A_247 = arith.mulf %select_n3A_246, %select_n3A_203 : vector<16xf32>
              tpu.vector_store_idx %run_scoped3A_3[%add3A_192, %select_n3A_158], %mul3A_247 : memref<2560x8xf32, #tpu.memory_space<vmem>>[vector<16xi32>, vector<16xi32>], vector<16xf32>,
              %add3A_248 = arith.constant 1 : i32
              %add3A_249 = arith.addi %add3A_136, %add3A_248 : i32
              %iota3A_250 = tpu.iota {dimensions = array<i32: 0>} : vector<16xi32>
              %jit3A_251 = arith.constant 8 : i32
              %eq3A_252 = arith.constant 0 : i32
              %eq3A_253 = arith.cmpi eq, %jit3A_251, %eq3A_252 : i32
              %jit3A_254 = arith.constant 1 : i32
              %select_n3A_255 = arith.select %eq3A_253, %jit3A_254, %jit3A_251 : i32
              %rem3A_256 = vector.broadcast %select_n3A_255 : i32 to vector<16xi32>
              %rem3A_257 = arith.remsi %iota3A_250, %rem3A_256 : vector<16xi32>
              %ne3A_258 = arith.constant 0 : i32
              %ne3A_259 = vector.broadcast %ne3A_258 : i32 to vector<16xi32>
              %ne3A_260 = arith.cmpi ne, %rem3A_257, %ne3A_259 : vector<16xi32>
              %lt3A_261 = arith.constant 0 : i32
              %lt3A_262 = vector.broadcast %lt3A_261 : i32 to vector<16xi32>
              %lt3A_263 = arith.cmpi slt, %rem3A_257, %lt3A_262 : vector<16xi32>
              %lt3A_264 = arith.constant 0 : i32
              %lt3A_265 = arith.cmpi slt, %select_n3A_255, %lt3A_264 : i32
              %ne3A_266 = vector.broadcast %lt3A_265 : i1 to vector<16xi1>
              %ne3A_267 = vector.broadcast %ne3A_266 : vector<16xi1> to vector<16xi1>
              %ne3A_268 = arith.xori %lt3A_263, %ne3A_267 : vector<16xi1>
              %and3A_269 = arith.andi %ne3A_268, %ne3A_260 : vector<16xi1>
              %add3A_270 = vector.broadcast %select_n3A_255 : i32 to vector<16xi32>
              %add3A_271 = arith.addi %rem3A_257, %add3A_270 : vector<16xi32>
              %select_n3A_272 = arith.select %and3A_269, %add3A_271, %rem3A_257 : vector<16xi1>, vector<16xi32>
              %jit3A_273 = arith.constant 8 : i32
              %div3A_274 = vector.broadcast %jit3A_273 : i32 to vector<16xi32>
              %div3A_275 = arith.divsi %iota3A_250, %div3A_274 : vector<16xi32>
              %sign3A_276 = arith.constant 0 : i32
              %sign3A_277 = vector.broadcast %sign3A_276 : i32 to vector<16xi32>
              %sign3A_278 = arith.cmpi sgt, %iota3A_250, %sign3A_277 : vector<16xi32>
              %sign3A_279 = arith.extui %sign3A_278 : vector<16xi1> to vector<16xi32>
              %sign3A_280 = arith.constant 0 : i32
              %sign3A_281 = vector.broadcast %sign3A_280 : i32 to vector<16xi32>
              %sign3A_282 = arith.cmpi slt, %iota3A_250, %sign3A_281 : vector<16xi32>
              %sign3A_283 = arith.extui %sign3A_282 : vector<16xi1> to vector<16xi32>
              %sign3A_284 = arith.subi %sign3A_279, %sign3A_283 : vector<16xi32>
              %sign3A_285 = arith.constant 0 : i32
              %sign3A_286 = arith.cmpi sgt, %jit3A_273, %sign3A_285 : i32
              %sign3A_287 = arith.extui %sign3A_286 : i1 to i32
              %sign3A_288 = arith.constant 0 : i32
              %sign3A_289 = arith.cmpi slt, %jit3A_273, %sign3A_288 : i32
              %sign3A_290 = arith.extui %sign3A_289 : i1 to i32
              %sign3A_291 = arith.subi %sign3A_287, %sign3A_290 : i32
              %ne3A_292 = vector.broadcast %sign3A_291 : i32 to vector<16xi32>
              %ne3A_293 = arith.cmpi ne, %sign3A_284, %ne3A_292 : vector<16xi32>
              %rem3A_294 = vector.broadcast %jit3A_273 : i32 to vector<16xi32>
              %rem3A_295 = arith.remsi %iota3A_250, %rem3A_294 : vector<16xi32>
              %ne3A_296 = arith.constant 0 : i32
              %ne3A_297 = vector.broadcast %ne3A_296 : i32 to vector<16xi32>
              %ne3A_298 = arith.cmpi ne, %rem3A_295, %ne3A_297 : vector<16xi32>
              %and3A_299 = arith.andi %ne3A_293, %ne3A_298 : vector<16xi1>
              %sub3A_300 = arith.constant 1 : i32
              %sub3A_301 = vector.broadcast %sub3A_300 : i32 to vector<16xi32>
              %sub3A_302 = arith.subi %div3A_275, %sub3A_301 : vector<16xi32>
              %select_n3A_303 = arith.select %and3A_299, %sub3A_302, %div3A_275 : vector<16xi1>, vector<16xi32>
              %mul3A_304 = arith.constant 2 : i32
              %mul3A_305 = arith.muli %mul3A_304, %add3A_249 : i32
              %broadcast_in_dim3A_306 = vector.broadcast %mul3A_305 : i32 to vector<16xi32>
              %add3A_307 = arith.addi %broadcast_in_dim3A_306, %select_n3A_303 : vector<16xi32>
              %mul3A_308 = arith.constant 2 : i32
              %mul3A_309 = arith.muli %mul3A_308, %add3A_249 : i32
              %get3A_310 = arith.index_cast %mul3A_309 : i32 to index
              %get3A_311 = tpu.vector_load %run_scoped3A_1[%get3A_310] {strides = array<i32>} : memref<2576xf32, #tpu.memory_space<vmem>>, vector<16xf32>,
              %slice3A_312 = vector.extract_strided_slice %get3A_311 {offsets = [0], sizes = [1], strides = [1]} : vector<16xf32> to vector<1xf32>
              %squeeze3A_313 = vector.extract %slice3A_312[0] : f32 from vector<1xf32>
              %broadcast_in_dim3A_314 = vector.broadcast %squeeze3A_313 : f32 to vector<16xf32>
              %slice3A_315 = vector.extract_strided_slice %get3A_311 {offsets = [1], sizes = [1], strides = [1]} : vector<16xf32> to vector<1xf32>
              %squeeze3A_316 = vector.extract %slice3A_315[0] : f32 from vector<1xf32>
              %broadcast_in_dim3A_317 = vector.broadcast %squeeze3A_316 : f32 to vector<16xf32>
              %broadcast_in_dim3A_318 = arith.constant 0 : i32
              %broadcast_in_dim3A_319 = vector.broadcast %broadcast_in_dim3A_318 : i32 to vector<16xi32>
              %eq3A_320 = arith.cmpi eq, %select_n3A_303, %broadcast_in_dim3A_319 : vector<16xi32>
              %select_n3A_321 = arith.select %eq3A_320, %broadcast_in_dim3A_314, %broadcast_in_dim3A_317 : vector<16xi1>, vector<16xf32>
              %mul3A_322 = arith.constant 8 : i32
              %mul3A_323 = arith.muli %mul3A_322, %select_n3A_82 : i32
              %broadcast_in_dim3A_324 = vector.broadcast %mul3A_323 : i32 to vector<16xi32>
              %add3A_325 = arith.addi %broadcast_in_dim3A_324, %select_n3A_272 : vector<16xi32>
              %broadcast_in_dim3A_326 = arith.constant 15 : i32
              %broadcast_in_dim3A_327 = vector.broadcast %broadcast_in_dim3A_326 : i32 to vector<16xi32>
              %min3A_328 = arith.minsi %add3A_325, %broadcast_in_dim3A_327 : vector<16xi32>
              %jit3A_329 = arith.constant 2 : i32
              %div3A_330 = arith.divsi %add3A_249, %jit3A_329 : i32
              %sign3A_331 = arith.constant 0 : i32
              %sign3A_332 = arith.cmpi sgt, %add3A_249, %sign3A_331 : i32
              %sign3A_333 = arith.extui %sign3A_332 : i1 to i32
              %sign3A_334 = arith.constant 0 : i32
              %sign3A_335 = arith.cmpi slt, %add3A_249, %sign3A_334 : i32
              %sign3A_336 = arith.extui %sign3A_335 : i1 to i32
              %sign3A_337 = arith.subi %sign3A_333, %sign3A_336 : i32
              %sign3A_338 = arith.constant 0 : i32
              %sign3A_339 = arith.cmpi sgt, %jit3A_329, %sign3A_338 : i32
              %sign3A_340 = arith.extui %sign3A_339 : i1 to i32
              %sign3A_341 = arith.constant 0 : i32
              %sign3A_342 = arith.cmpi slt, %jit3A_329, %sign3A_341 : i32
              %sign3A_343 = arith.extui %sign3A_342 : i1 to i32
              %sign3A_344 = arith.subi %sign3A_340, %sign3A_343 : i32
              %ne3A_345 = arith.cmpi ne, %sign3A_337, %sign3A_344 : i32
              %rem3A_346 = arith.remsi %add3A_249, %jit3A_329 : i32
              %ne3A_347 = arith.constant 0 : i32
              %ne3A_348 = arith.cmpi ne, %rem3A_346, %ne3A_347 : i32
              %and3A_349 = arith.andi %ne3A_345, %ne3A_348 : i1
              %sub3A_350 = arith.constant 1 : i32
              %sub3A_351 = arith.subi %div3A_330, %sub3A_350 : i32
              %select_n3A_352 = arith.select %and3A_349, %sub3A_351, %div3A_330 : i32
              %broadcast_in_dim3A_353 = vector.broadcast %select_n3A_352 : i32 to vector<16xi32>
              %gather3A_354 = tpu.vector_load_idx %run_scoped3A_2[%broadcast_in_dim3A_353, %min3A_328] : memref<640x16xf32, #tpu.memory_space<vmem>>[vector<16xi32>, vector<16xi32>], vector<16xf32>,
              %broadcast_in_dim3A_355 = arith.constant 1.000000e+00 : f32
              %broadcast_in_dim3A_356 = vector.broadcast %broadcast_in_dim3A_355 : f32 to vector<16xf32>
              %broadcast_in_dim3A_357 = arith.constant 0.000000e+00 : f32
              %broadcast_in_dim3A_358 = vector.broadcast %broadcast_in_dim3A_357 : f32 to vector<16xf32>
              %broadcast_in_dim3A_359 = arith.constant 0 : i32
              %broadcast_in_dim3A_360 = vector.broadcast %broadcast_in_dim3A_359 : i32 to vector<16xi32>
              %eq3A_361 = arith.cmpi eq, %select_n3A_272, %broadcast_in_dim3A_360 : vector<16xi32>
              %select_n3A_362 = arith.select %eq3A_361, %broadcast_in_dim3A_356, %broadcast_in_dim3A_358 : vector<16xi1>, vector<16xf32>
              %eq3A_363 = arith.constant 2 : i32
              %eq3A_364 = arith.cmpi eq, %select_n3A_82, %eq3A_363 : i32
              %broadcast_in_dim3A_365 = vector.broadcast %eq3A_364 : i1 to vector<16xi1>
              %select_n3A_366 = arith.select %broadcast_in_dim3A_365, %select_n3A_362, %gather3A_354 : vector<16xi1>, vector<16xf32>
              %mul3A_367 = arith.mulf %select_n3A_366, %select_n3A_321 : vector<16xf32>
              tpu.vector_store_idx %run_scoped3A_3[%add3A_307, %select_n3A_272], %mul3A_367 : memref<2560x8xf32, #tpu.memory_space<vmem>>[vector<16xi32>, vector<16xi32>], vector<16xf32>,
              %add3A_368 = arith.constant 2 : i32
              %add3A_369 = arith.addi %add3A_136, %add3A_368 : i32
              %iota3A_370 = tpu.iota {dimensions = array<i32: 0>} : vector<16xi32>
              %jit3A_371 = arith.constant 8 : i32
              %eq3A_372 = arith.constant 0 : i32
              %eq3A_373 = arith.cmpi eq, %jit3A_371, %eq3A_372 : i32
              %jit3A_374 = arith.constant 1 : i32
              %select_n3A_375 = arith.select %eq3A_373, %jit3A_374, %jit3A_371 : i32
              %rem3A_376 = vector.broadcast %select_n3A_375 : i32 to vector<16xi32>
              %rem3A_377 = arith.remsi %iota3A_370, %rem3A_376 : vector<16xi32>
              %ne3A_378 = arith.constant 0 : i32
              %ne3A_379 = vector.broadcast %ne3A_378 : i32 to vector<16xi32>
              %ne3A_380 = arith.cmpi ne, %rem3A_377, %ne3A_379 : vector<16xi32>
              %lt3A_381 = arith.constant 0 : i32
              %lt3A_382 = vector.broadcast %lt3A_381 : i32 to vector<16xi32>
              %lt3A_383 = arith.cmpi slt, %rem3A_377, %lt3A_382 : vector<16xi32>
              %lt3A_384 = arith.constant 0 : i32
              %lt3A_385 = arith.cmpi slt, %select_n3A_375, %lt3A_384 : i32
              %ne3A_386 = vector.broadcast %lt3A_385 : i1 to vector<16xi1>
              %ne3A_387 = vector.broadcast %ne3A_386 : vector<16xi1> to vector<16xi1>
              %ne3A_388 = arith.xori %lt3A_383, %ne3A_387 : vector<16xi1>
              %and3A_389 = arith.andi %ne3A_388, %ne3A_380 : vector<16xi1>
              %add3A_390 = vector.broadcast %select_n3A_375 : i32 to vector<16xi32>
              %add3A_391 = arith.addi %rem3A_377, %add3A_390 : vector<16xi32>
              %select_n3A_392 = arith.select %and3A_389, %add3A_391, %rem3A_377 : vector<16xi1>, vector<16xi32>
              %jit3A_393 = arith.constant 8 : i32
              %div3A_394 = vector.broadcast %jit3A_393 : i32 to vector<16xi32>
              %div3A_395 = arith.divsi %iota3A_370, %div3A_394 : vector<16xi32>
              %sign3A_396 = arith.constant 0 : i32
              %sign3A_397 = vector.broadcast %sign3A_396 : i32 to vector<16xi32>
              %sign3A_398 = arith.cmpi sgt, %iota3A_370, %sign3A_397 : vector<16xi32>
              %sign3A_399 = arith.extui %sign3A_398 : vector<16xi1> to vector<16xi32>
              %sign3A_400 = arith.constant 0 : i32
              %sign3A_401 = vector.broadcast %sign3A_400 : i32 to vector<16xi32>
              %sign3A_402 = arith.cmpi slt, %iota3A_370, %sign3A_401 : vector<16xi32>
              %sign3A_403 = arith.extui %sign3A_402 : vector<16xi1> to vector<16xi32>
              %sign3A_404 = arith.subi %sign3A_399, %sign3A_403 : vector<16xi32>
              %sign3A_405 = arith.constant 0 : i32
              %sign3A_406 = arith.cmpi sgt, %jit3A_393, %sign3A_405 : i32
              %sign3A_407 = arith.extui %sign3A_406 : i1 to i32
              %sign3A_408 = arith.constant 0 : i32
              %sign3A_409 = arith.cmpi slt, %jit3A_393, %sign3A_408 : i32
              %sign3A_410 = arith.extui %sign3A_409 : i1 to i32
              %sign3A_411 = arith.subi %sign3A_407, %sign3A_410 : i32
              %ne3A_412 = vector.broadcast %sign3A_411 : i32 to vector<16xi32>
              %ne3A_413 = arith.cmpi ne, %sign3A_404, %ne3A_412 : vector<16xi32>
              %rem3A_414 = vector.broadcast %jit3A_393 : i32 to vector<16xi32>
              %rem3A_415 = arith.remsi %iota3A_370, %rem3A_414 : vector<16xi32>
              %ne3A_416 = arith.constant 0 : i32
              %ne3A_417 = vector.broadcast %ne3A_416 : i32 to vector<16xi32>
              %ne3A_418 = arith.cmpi ne, %rem3A_415, %ne3A_417 : vector<16xi32>
              %and3A_419 = arith.andi %ne3A_413, %ne3A_418 : vector<16xi1>
              %sub3A_420 = arith.constant 1 : i32
              %sub3A_421 = vector.broadcast %sub3A_420 : i32 to vector<16xi32>
              %sub3A_422 = arith.subi %div3A_395, %sub3A_421 : vector<16xi32>
              %select_n3A_423 = arith.select %and3A_419, %sub3A_422, %div3A_395 : vector<16xi1>, vector<16xi32>
              %mul3A_424 = arith.constant 2 : i32
              %mul3A_425 = arith.muli %mul3A_424, %add3A_369 : i32
              %broadcast_in_dim3A_426 = vector.broadcast %mul3A_425 : i32 to vector<16xi32>
              %add3A_427 = arith.addi %broadcast_in_dim3A_426, %select_n3A_423 : vector<16xi32>
              %mul3A_428 = arith.constant 2 : i32
              %mul3A_429 = arith.muli %mul3A_428, %add3A_369 : i32
              %get3A_430 = arith.index_cast %mul3A_429 : i32 to index
              %get3A_431 = tpu.vector_load %run_scoped3A_1[%get3A_430] {strides = array<i32>} : memref<2576xf32, #tpu.memory_space<vmem>>, vector<16xf32>,
              %slice3A_432 = vector.extract_strided_slice %get3A_431 {offsets = [0], sizes = [1], strides = [1]} : vector<16xf32> to vector<1xf32>
              %squeeze3A_433 = vector.extract %slice3A_432[0] : f32 from vector<1xf32>
              %broadcast_in_dim3A_434 = vector.broadcast %squeeze3A_433 : f32 to vector<16xf32>
              %slice3A_435 = vector.extract_strided_slice %get3A_431 {offsets = [1], sizes = [1], strides = [1]} : vector<16xf32> to vector<1xf32>
              %squeeze3A_436 = vector.extract %slice3A_435[0] : f32 from vector<1xf32>
              %broadcast_in_dim3A_437 = vector.broadcast %squeeze3A_436 : f32 to vector<16xf32>
              %broadcast_in_dim3A_438 = arith.constant 0 : i32
              %broadcast_in_dim3A_439 = vector.broadcast %broadcast_in_dim3A_438 : i32 to vector<16xi32>
              %eq3A_440 = arith.cmpi eq, %select_n3A_423, %broadcast_in_dim3A_439 : vector<16xi32>
              %select_n3A_441 = arith.select %eq3A_440, %broadcast_in_dim3A_434, %broadcast_in_dim3A_437 : vector<16xi1>, vector<16xf32>
              %mul3A_442 = arith.constant 8 : i32
              %mul3A_443 = arith.muli %mul3A_442, %select_n3A_82 : i32
              %broadcast_in_dim3A_444 = vector.broadcast %mul3A_443 : i32 to vector<16xi32>
              %add3A_445 = arith.addi %broadcast_in_dim3A_444, %select_n3A_392 : vector<16xi32>
              %broadcast_in_dim3A_446 = arith.constant 15 : i32
              %broadcast_in_dim3A_447 = vector.broadcast %broadcast_in_dim3A_446 : i32 to vector<16xi32>
              %min3A_448 = arith.minsi %add3A_445, %broadcast_in_dim3A_447 : vector<16xi32>
              %jit3A_449 = arith.constant 2 : i32
              %div3A_450 = arith.divsi %add3A_369, %jit3A_449 : i32
              %sign3A_451 = arith.constant 0 : i32
              %sign3A_452 = arith.cmpi sgt, %add3A_369, %sign3A_451 : i32
              %sign3A_453 = arith.extui %sign3A_452 : i1 to i32
              %sign3A_454 = arith.constant 0 : i32
              %sign3A_455 = arith.cmpi slt, %add3A_369, %sign3A_454 : i32
              %sign3A_456 = arith.extui %sign3A_455 : i1 to i32
              %sign3A_457 = arith.subi %sign3A_453, %sign3A_456 : i32
              %sign3A_458 = arith.constant 0 : i32
              %sign3A_459 = arith.cmpi sgt, %jit3A_449, %sign3A_458 : i32
              %sign3A_460 = arith.extui %sign3A_459 : i1 to i32
              %sign3A_461 = arith.constant 0 : i32
              %sign3A_462 = arith.cmpi slt, %jit3A_449, %sign3A_461 : i32
              %sign3A_463 = arith.extui %sign3A_462 : i1 to i32
              %sign3A_464 = arith.subi %sign3A_460, %sign3A_463 : i32
              %ne3A_465 = arith.cmpi ne, %sign3A_457, %sign3A_464 : i32
              %rem3A_466 = arith.remsi %add3A_369, %jit3A_449 : i32
              %ne3A_467 = arith.constant 0 : i32
              %ne3A_468 = arith.cmpi ne, %rem3A_466, %ne3A_467 : i32
              %and3A_469 = arith.andi %ne3A_465, %ne3A_468 : i1
              %sub3A_470 = arith.constant 1 : i32
              %sub3A_471 = arith.subi %div3A_450, %sub3A_470 : i32
              %select_n3A_472 = arith.select %and3A_469, %sub3A_471, %div3A_450 : i32
              %broadcast_in_dim3A_473 = vector.broadcast %select_n3A_472 : i32 to vector<16xi32>
              %gather3A_474 = tpu.vector_load_idx %run_scoped3A_2[%broadcast_in_dim3A_473, %min3A_448] : memref<640x16xf32, #tpu.memory_space<vmem>>[vector<16xi32>, vector<16xi32>], vector<16xf32>,
              %broadcast_in_dim3A_475 = arith.constant 1.000000e+00 : f32
              %broadcast_in_dim3A_476 = vector.broadcast %broadcast_in_dim3A_475 : f32 to vector<16xf32>
              %broadcast_in_dim3A_477 = arith.constant 0.000000e+00 : f32
              %broadcast_in_dim3A_478 = vector.broadcast %broadcast_in_dim3A_477 : f32 to vector<16xf32>
              %broadcast_in_dim3A_479 = arith.constant 0 : i32
              %broadcast_in_dim3A_480 = vector.broadcast %broadcast_in_dim3A_479 : i32 to vector<16xi32>
              %eq3A_481 = arith.cmpi eq, %select_n3A_392, %broadcast_in_dim3A_480 : vector<16xi32>
              %select_n3A_482 = arith.select %eq3A_481, %broadcast_in_dim3A_476, %broadcast_in_dim3A_478 : vector<16xi1>, vector<16xf32>
              %eq3A_483 = arith.constant 2 : i32
              %eq3A_484 = arith.cmpi eq, %select_n3A_82, %eq3A_483 : i32
              %broadcast_in_dim3A_485 = vector.broadcast %eq3A_484 : i1 to vector<16xi1>
              %select_n3A_486 = arith.select %broadcast_in_dim3A_485, %select_n3A_482, %gather3A_474 : vector<16xi1>, vector<16xf32>
              %mul3A_487 = arith.mulf %select_n3A_486, %select_n3A_441 : vector<16xf32>
              tpu.vector_store_idx %run_scoped3A_3[%add3A_427, %select_n3A_392], %mul3A_487 : memref<2560x8xf32, #tpu.memory_space<vmem>>[vector<16xi32>, vector<16xi32>], vector<16xf32>,
              %add3A_488 = arith.constant 3 : i32
              %add3A_489 = arith.addi %add3A_136, %add3A_488 : i32
              %iota3A_490 = tpu.iota {dimensions = array<i32: 0>} : vector<16xi32>
              %jit3A_491 = arith.constant 8 : i32
              %eq3A_492 = arith.constant 0 : i32
              %eq3A_493 = arith.cmpi eq, %jit3A_491, %eq3A_492 : i32
              %jit3A_494 = arith.constant 1 : i32
              %select_n3A_495 = arith.select %eq3A_493, %jit3A_494, %jit3A_491 : i32
              %rem3A_496 = vector.broadcast %select_n3A_495 : i32 to vector<16xi32>
              %rem3A_497 = arith.remsi %iota3A_490, %rem3A_496 : vector<16xi32>
              %ne3A_498 = arith.constant 0 : i32
              %ne3A_499 = vector.broadcast %ne3A_498 : i32 to vector<16xi32>
              %ne3A_500 = arith.cmpi ne, %rem3A_497, %ne3A_499 : vector<16xi32>
              %lt3A_501 = arith.constant 0 : i32
              %lt3A_502 = vector.broadcast %lt3A_501 : i32 to vector<16xi32>
              %lt3A_503 = arith.cmpi slt, %rem3A_497, %lt3A_502 : vector<16xi32>
              %lt3A_504 = arith.constant 0 : i32
              %lt3A_505 = arith.cmpi slt, %select_n3A_495, %lt3A_504 : i32
              %ne3A_506 = vector.broadcast %lt3A_505 : i1 to vector<16xi1>
              %ne3A_507 = vector.broadcast %ne3A_506 : vector<16xi1> to vector<16xi1>
              %ne3A_508 = arith.xori %lt3A_503, %ne3A_507 : vector<16xi1>
              %and3A_509 = arith.andi %ne3A_508, %ne3A_500 : vector<16xi1>
              %add3A_510 = vector.broadcast %select_n3A_495 : i32 to vector<16xi32>
              %add3A_511 = arith.addi %rem3A_497, %add3A_510 : vector<16xi32>
              %select_n3A_512 = arith.select %and3A_509, %add3A_511, %rem3A_497 : vector<16xi1>, vector<16xi32>
              %jit3A_513 = arith.constant 8 : i32
              %div3A_514 = vector.broadcast %jit3A_513 : i32 to vector<16xi32>
              %div3A_515 = arith.divsi %iota3A_490, %div3A_514 : vector<16xi32>
              %sign3A_516 = arith.constant 0 : i32
              %sign3A_517 = vector.broadcast %sign3A_516 : i32 to vector<16xi32>
              %sign3A_518 = arith.cmpi sgt, %iota3A_490, %sign3A_517 : vector<16xi32>
              %sign3A_519 = arith.extui %sign3A_518 : vector<16xi1> to vector<16xi32>
              %sign3A_520 = arith.constant 0 : i32
              %sign3A_521 = vector.broadcast %sign3A_520 : i32 to vector<16xi32>
              %sign3A_522 = arith.cmpi slt, %iota3A_490, %sign3A_521 : vector<16xi32>
              %sign3A_523 = arith.extui %sign3A_522 : vector<16xi1> to vector<16xi32>
              %sign3A_524 = arith.subi %sign3A_519, %sign3A_523 : vector<16xi32>
              %sign3A_525 = arith.constant 0 : i32
              %sign3A_526 = arith.cmpi sgt, %jit3A_513, %sign3A_525 : i32
              %sign3A_527 = arith.extui %sign3A_526 : i1 to i32
              %sign3A_528 = arith.constant 0 : i32
              %sign3A_529 = arith.cmpi slt, %jit3A_513, %sign3A_528 : i32
              %sign3A_530 = arith.extui %sign3A_529 : i1 to i32
              %sign3A_531 = arith.subi %sign3A_527, %sign3A_530 : i32
              %ne3A_532 = vector.broadcast %sign3A_531 : i32 to vector<16xi32>
              %ne3A_533 = arith.cmpi ne, %sign3A_524, %ne3A_532 : vector<16xi32>
              %rem3A_534 = vector.broadcast %jit3A_513 : i32 to vector<16xi32>
              %rem3A_535 = arith.remsi %iota3A_490, %rem3A_534 : vector<16xi32>
              %ne3A_536 = arith.constant 0 : i32
              %ne3A_537 = vector.broadcast %ne3A_536 : i32 to vector<16xi32>
              %ne3A_538 = arith.cmpi ne, %rem3A_535, %ne3A_537 : vector<16xi32>
              %and3A_539 = arith.andi %ne3A_533, %ne3A_538 : vector<16xi1>
              %sub3A_540 = arith.constant 1 : i32
              %sub3A_541 = vector.broadcast %sub3A_540 : i32 to vector<16xi32>
              %sub3A_542 = arith.subi %div3A_515, %sub3A_541 : vector<16xi32>
              %select_n3A_543 = arith.select %and3A_539, %sub3A_542, %div3A_515 : vector<16xi1>, vector<16xi32>
              %mul3A_544 = arith.constant 2 : i32
              %mul3A_545 = arith.muli %mul3A_544, %add3A_489 : i32
              %broadcast_in_dim3A_546 = vector.broadcast %mul3A_545 : i32 to vector<16xi32>
              %add3A_547 = arith.addi %broadcast_in_dim3A_546, %select_n3A_543 : vector<16xi32>
              %mul3A_548 = arith.constant 2 : i32
              %mul3A_549 = arith.muli %mul3A_548, %add3A_489 : i32
              %get3A_550 = arith.index_cast %mul3A_549 : i32 to index
              %get3A_551 = tpu.vector_load %run_scoped3A_1[%get3A_550] {strides = array<i32>} : memref<2576xf32, #tpu.memory_space<vmem>>, vector<16xf32>,
              %slice3A_552 = vector.extract_strided_slice %get3A_551 {offsets = [0], sizes = [1], strides = [1]} : vector<16xf32> to vector<1xf32>
              %squeeze3A_553 = vector.extract %slice3A_552[0] : f32 from vector<1xf32>
              %broadcast_in_dim3A_554 = vector.broadcast %squeeze3A_553 : f32 to vector<16xf32>
              %slice3A_555 = vector.extract_strided_slice %get3A_551 {offsets = [1], sizes = [1], strides = [1]} : vector<16xf32> to vector<1xf32>
              %squeeze3A_556 = vector.extract %slice3A_555[0] : f32 from vector<1xf32>
              %broadcast_in_dim3A_557 = vector.broadcast %squeeze3A_556 : f32 to vector<16xf32>
              %broadcast_in_dim3A_558 = arith.constant 0 : i32
              %broadcast_in_dim3A_559 = vector.broadcast %broadcast_in_dim3A_558 : i32 to vector<16xi32>
              %eq3A_560 = arith.cmpi eq, %select_n3A_543, %broadcast_in_dim3A_559 : vector<16xi32>
              %select_n3A_561 = arith.select %eq3A_560, %broadcast_in_dim3A_554, %broadcast_in_dim3A_557 : vector<16xi1>, vector<16xf32>
              %mul3A_562 = arith.constant 8 : i32
              %mul3A_563 = arith.muli %mul3A_562, %select_n3A_82 : i32
              %broadcast_in_dim3A_564 = vector.broadcast %mul3A_563 : i32 to vector<16xi32>
              %add3A_565 = arith.addi %broadcast_in_dim3A_564, %select_n3A_512 : vector<16xi32>
              %broadcast_in_dim3A_566 = arith.constant 15 : i32
              %broadcast_in_dim3A_567 = vector.broadcast %broadcast_in_dim3A_566 : i32 to vector<16xi32>
              %min3A_568 = arith.minsi %add3A_565, %broadcast_in_dim3A_567 : vector<16xi32>
              %jit3A_569 = arith.constant 2 : i32
              %div3A_570 = arith.divsi %add3A_489, %jit3A_569 : i32
              %sign3A_571 = arith.constant 0 : i32
              %sign3A_572 = arith.cmpi sgt, %add3A_489, %sign3A_571 : i32
              %sign3A_573 = arith.extui %sign3A_572 : i1 to i32
              %sign3A_574 = arith.constant 0 : i32
              %sign3A_575 = arith.cmpi slt, %add3A_489, %sign3A_574 : i32
              %sign3A_576 = arith.extui %sign3A_575 : i1 to i32
              %sign3A_577 = arith.subi %sign3A_573, %sign3A_576 : i32
              %sign3A_578 = arith.constant 0 : i32
              %sign3A_579 = arith.cmpi sgt, %jit3A_569, %sign3A_578 : i32
              %sign3A_580 = arith.extui %sign3A_579 : i1 to i32
              %sign3A_581 = arith.constant 0 : i32
              %sign3A_582 = arith.cmpi slt, %jit3A_569, %sign3A_581 : i32
              %sign3A_583 = arith.extui %sign3A_582 : i1 to i32
              %sign3A_584 = arith.subi %sign3A_580, %sign3A_583 : i32
              %ne3A_585 = arith.cmpi ne, %sign3A_577, %sign3A_584 : i32
              %rem3A_586 = arith.remsi %add3A_489, %jit3A_569 : i32
              %ne3A_587 = arith.constant 0 : i32
              %ne3A_588 = arith.cmpi ne, %rem3A_586, %ne3A_587 : i32
              %and3A_589 = arith.andi %ne3A_585, %ne3A_588 : i1
              %sub3A_590 = arith.constant 1 : i32
              %sub3A_591 = arith.subi %div3A_570, %sub3A_590 : i32
              %select_n3A_592 = arith.select %and3A_589, %sub3A_591, %div3A_570 : i32
              %broadcast_in_dim3A_593 = vector.broadcast %select_n3A_592 : i32 to vector<16xi32>
              %gather3A_594 = tpu.vector_load_idx %run_scoped3A_2[%broadcast_in_dim3A_593, %min3A_568] : memref<640x16xf32, #tpu.memory_space<vmem>>[vector<16xi32>, vector<16xi32>], vector<16xf32>,
              %broadcast_in_dim3A_595 = arith.constant 1.000000e+00 : f32
              %broadcast_in_dim3A_596 = vector.broadcast %broadcast_in_dim3A_595 : f32 to vector<16xf32>
              %broadcast_in_dim3A_597 = arith.constant 0.000000e+00 : f32
              %broadcast_in_dim3A_598 = vector.broadcast %broadcast_in_dim3A_597 : f32 to vector<16xf32>
              %broadcast_in_dim3A_599 = arith.constant 0 : i32
              %broadcast_in_dim3A_600 = vector.broadcast %broadcast_in_dim3A_599 : i32 to vector<16xi32>
              %eq3A_601 = arith.cmpi eq, %select_n3A_512, %broadcast_in_dim3A_600 : vector<16xi32>
              %select_n3A_602 = arith.select %eq3A_601, %broadcast_in_dim3A_596, %broadcast_in_dim3A_598 : vector<16xi1>, vector<16xf32>
              %eq3A_603 = arith.constant 2 : i32
              %eq3A_604 = arith.cmpi eq, %select_n3A_82, %eq3A_603 : i32
              %broadcast_in_dim3A_605 = vector.broadcast %eq3A_604 : i1 to vector<16xi1>
              %select_n3A_606 = arith.select %broadcast_in_dim3A_605, %select_n3A_602, %gather3A_594 : vector<16xi1>, vector<16xf32>
              %mul3A_607 = arith.mulf %select_n3A_606, %select_n3A_561 : vector<16xf32>
              tpu.vector_store_idx %run_scoped3A_3[%add3A_547, %select_n3A_512], %mul3A_607 : memref<2560x8xf32, #tpu.memory_space<vmem>>[vector<16xi32>, vector<16xi32>], vector<16xf32>,
            }
            %scan3A_128 = arith.constant 16 : i32
            %mul3A_129 = arith.constant 128 : i32
            %mul3A_130 = arith.muli %scan3A_122, %mul3A_129 : i32
            "tpu.region"() ({
              %run_scoped3A_131 = tpu.sem_alloc : memref<!tpu.dma_semaphore, #tpu.memory_space<semaphore_mem>>
              %dma_start3A = arith.constant 0 : i32
              %dma_start3A_132 = tpu.memref_slice %run_scoped3A_3[%mul3A_130, %dma_start3A] : memref<2560x8xf32, #tpu.memory_space<vmem>> -> memref<128x8xf32, #tpu.memory_space<vmem>>
              %dma_start3A_133 = arith.constant 0 : i32
              %dma_start3A_134 = tpu.memref_slice %run_scoped3A_0[%scan3A_122, %dma_start3A_133] : memref<20x128xi32, #tpu.memory_space<vmem>> -> memref<1x128xi32, #tpu.memory_space<vmem>>
              %dma_start3A_135 = tpu.memref_squeeze %dma_start3A_134 : memref<1x128xi32, #tpu.memory_space<vmem>> -> memref<128xi32, #tpu.memory_space<vmem>>
              %dma_start3A_136 = arith.constant 0 : i32
              %dma_start3A_137 = arith.constant 0 : i32
              %dma_start3A_138 = tpu.memref_slice %arg7[%dma_start3A_136, %dma_start3A_137] : memref<131200x8xf32, #tpu.memory_space<vmem_shared>> -> memref<131200x8xf32, #tpu.memory_space<vmem_shared>>
              tpu.enqueue_indirect_dma source(%dma_start3A_132 : memref<128x8xf32, #tpu.memory_space<vmem>>) target(%dma_start3A_138 : memref<131200x8xf32, #tpu.memory_space<vmem_shared>>) offsets(%dma_start3A_135 : memref<128xi32, #tpu.memory_space<vmem>>) semaphore(%run_scoped3A_131 : memref<!tpu.dma_semaphore, #tpu.memory_space<semaphore_mem>>) {add = true}
              %dma_wait3A = arith.constant 0 : i32
              %dma_wait3A_139 = tpu.memref_slice %run_scoped3A_3[%mul3A_130, %dma_wait3A] : memref<2560x8xf32, #tpu.memory_space<vmem>> -> memref<128x8xf32, #tpu.memory_space<vmem>>
              %dma_wait3A_140 = arith.constant 0 : i32
              %dma_wait3A_141 = tpu.memref_slice %run_scoped3A_0[%scan3A_122, %dma_wait3A_140] : memref<20x128xi32, #tpu.memory_space<vmem>> -> memref<1x128xi32, #tpu.memory_space<vmem>>
              %dma_wait3A_142 = tpu.memref_squeeze %dma_wait3A_141 : memref<1x128xi32, #tpu.memory_space<vmem>> -> memref<128xi32, #tpu.memory_space<vmem>>
              %dma_wait3A_143 = arith.constant 0 : i32
              %dma_wait3A_144 = arith.constant 0 : i32
              %dma_wait3A_145 = tpu.memref_slice %arg7[%dma_wait3A_143, %dma_wait3A_144] : memref<131200x8xf32, #tpu.memory_space<vmem_shared>> -> memref<131200x8xf32, #tpu.memory_space<vmem_shared>>
              tpu.wait_indirect_dma semaphore(%run_scoped3A_131 : memref<!tpu.dma_semaphore, #tpu.memory_space<semaphore_mem>>) src(%dma_wait3A_139 : memref<128x8xf32, #tpu.memory_space<vmem>>) dst(%dma_wait3A_145 : memref<131200x8xf32, #tpu.memory_space<vmem_shared>>)
              tpu.yield
            }) : () -> ()
          }
          %scan3A_121 = arith.constant 20 : i32
        }
        %scan3A_94 = arith.constant 10 : i32
        %barrier3A_95 = arith.constant 0 : index
        tpu.barrier barrier_id(%barrier3A_95)
        %mul3A_96 = arith.constant 8192 : i32
        %mul3A_97 = arith.muli %arg1, %mul3A_96 : i32
        %mul3A_98 = arith.constant 131072 : i32
        %mul3A_99 = arith.muli %select_n3A_66, %mul3A_98 : i32
        %mul3A_100 = arith.constant 8192 : i32
        %mul3A_101 = arith.muli %arg1, %mul3A_100 : i32
        %add3A_102 = arith.addi %mul3A_99, %mul3A_101 : i32
        "tpu.region"() ({
          %run_scoped3A_103 = tpu.sem_alloc : memref<!tpu.dma_semaphore, #tpu.memory_space<semaphore_mem>>
          %dma_start3A = arith.constant 0 : i32
          %dma_start3A_104 = tpu.memref_slice %arg6[%add3A, %select_n3A_82, %add3A_102, %dma_start3A] : memref<4x3x262144x8xf32, #tpu.memory_space<hbm>> -> memref<1x1x8192x8xf32, #tpu.memory_space<hbm>>
          %dma_start3A_105 = tpu.memref_squeeze %dma_start3A_104 : memref<1x1x8192x8xf32, #tpu.memory_space<hbm>> -> memref<8192x8xf32, #tpu.memory_space<hbm>>
          %dma_start3A_106 = arith.constant 0 : i32
          %dma_start3A_107 = tpu.memref_slice %arg7[%mul3A_97, %dma_start3A_106] : memref<131200x8xf32, #tpu.memory_space<vmem_shared>> -> memref<8192x8xf32, #tpu.memory_space<vmem_shared>>
          tpu.enqueue_dma source(%dma_start3A_107 : memref<8192x8xf32, #tpu.memory_space<vmem_shared>>) target(%dma_start3A_105 : memref<8192x8xf32, #tpu.memory_space<hbm>>) target_semaphore(%run_scoped3A_103 : memref<!tpu.dma_semaphore, #tpu.memory_space<semaphore_mem>>)
          %dma_wait3A = arith.constant 0 : i32
          %dma_wait3A_108 = tpu.memref_slice %arg6[%add3A, %select_n3A_82, %add3A_102, %dma_wait3A] : memref<4x3x262144x8xf32, #tpu.memory_space<hbm>> -> memref<1x1x8192x8xf32, #tpu.memory_space<hbm>>
          %dma_wait3A_109 = tpu.memref_squeeze %dma_wait3A_108 : memref<1x1x8192x8xf32, #tpu.memory_space<hbm>> -> memref<8192x8xf32, #tpu.memory_space<hbm>>
          %dma_wait3A_110 = arith.constant 0 : i32
          %dma_wait3A_111 = tpu.memref_slice %arg7[%mul3A_97, %dma_wait3A_110] : memref<131200x8xf32, #tpu.memory_space<vmem_shared>> -> memref<8192x8xf32, #tpu.memory_space<vmem_shared>>
          tpu.wait_dma2 semaphore(%run_scoped3A_103 : memref<!tpu.dma_semaphore, #tpu.memory_space<semaphore_mem>>) src(%dma_wait3A_111 : memref<8192x8xf32, #tpu.memory_space<vmem_shared>>) dst(%dma_wait3A_109 : memref<8192x8xf32, #tpu.memory_space<hbm>>)
          tpu.yield
        }) : () -> ()
      }
      %scan3A_10 = arith.constant 12 : i32
      tpu.yield
    }) : () -> ()
    return
  }
}

module attributes {stable_mosaic.version = 14 : i64} {
  func.func @_pool_body(%arg0: i32, %arg1: i32, %arg2: memref<1x3x1024x8xf32, #tpu.memory_space<vmem>>, %arg3: memref<1x1x256x16xf32, #tpu.memory_space<vmem>>) attributes {dimension_semantics = [#tpu.dimension_semantics<arbitrary>, #tpu.dimension_semantics<arbitrary>], iteration_bounds = array<i64: 4, 256>, scalar_prefetch = 0 : i64, scratch_operands = 0 : i64, tpu.core_type = #tpu.core_type<tc>, window_params = [{transform_indices = @transform_0, window_bounds = array<i64: 1, 3, 1024, 8>}, {transform_indices = @transform_1, window_bounds = array<i64: 1, 1, 256, 16>}]} {
    %get3A = arith.constant 0 : index
    %get3A_0 = arith.constant 0 : index
    %get3A_1 = arith.constant 0 : index
    %get3A_2 = arith.constant 0 : index
    %get3A_3 = vector.load %arg2[%get3A, %get3A_0, %get3A_1, %get3A_2] : memref<1x3x1024x8xf32, #tpu.memory_space<vmem>>, vector<1x3x1024x8xf32>
    %get3A_4 = vector.shape_cast %get3A_3 : vector<1x3x1024x8xf32> to vector<3x1024x8xf32>
    %slice3A = vector.extract_strided_slice %get3A_4 {offsets = [2, 0, 0], sizes = [1, 1024, 1], strides = [1, 1, 1]} : vector<3x1024x8xf32> to vector<1x1024x1xf32>
    %squeeze3A = vector.shape_cast %slice3A : vector<1x1024x1xf32> to vector<1024xf32>
    %gt3A = arith.constant 0.000000e+00 : f32
    %gt3A_5 = vector.broadcast %gt3A : f32 to vector<1024xf32>
    %gt3A_6 = arith.cmpf ogt, %squeeze3A, %gt3A_5 : vector<1024xf32>
    %convert_element_type3A = arith.extui %gt3A_6 : vector<1024xi1> to vector<1024xi32>
    %convert_element_type3A_7 = arith.sitofp %convert_element_type3A : vector<1024xi32> to vector<1024xf32>
    %max3A = arith.constant 9.99999993E-9 : f32
    %max3A_8 = vector.broadcast %max3A : f32 to vector<1024xf32>
    %max3A_9 = arith.maximumf %squeeze3A, %max3A_8 : vector<1024xf32>
    %div3A = arith.constant 1.000000e+00 : f32
    %div3A_10 = vector.broadcast %div3A : f32 to vector<1024xf32>
    %div3A_11 = arith.divf %div3A_10, %max3A_9 : vector<1024xf32>
    %mul3A = arith.mulf %div3A_11, %convert_element_type3A_7 : vector<1024xf32>
    %broadcast_in_dim3A = vector.shape_cast %mul3A : vector<1024xf32> to vector<1024x1xf32>
    %slice3A_12 = vector.extract_strided_slice %get3A_4 {offsets = [0, 0, 0], sizes = [1, 1024, 8], strides = [1, 1, 1]} : vector<3x1024x8xf32> to vector<1x1024x8xf32>
    %squeeze3A_13 = vector.shape_cast %slice3A_12 : vector<1x1024x8xf32> to vector<1024x8xf32>
    %mul3A_14 = vector.broadcast %broadcast_in_dim3A : vector<1024x1xf32> to vector<1024x8xf32>
    %mul3A_15 = arith.mulf %squeeze3A_13, %mul3A_14 : vector<1024x8xf32>
    %reshape3A = vector.shape_cast %mul3A_15 : vector<1024x8xf32> to vector<2x256x2x8xf32>
    %reduce_sum3A = arith.constant dense<0.000000e+00> : vector<256x8xf32>
    %reduce_sum3A_16 = vector.multi_reduction <add>, %reshape3A, %reduce_sum3A [0, 2] : vector<2x256x2x8xf32> to vector<256x8xf32>
    %slice3A_17 = vector.extract_strided_slice %get3A_4 {offsets = [1, 0, 0], sizes = [1, 1024, 8], strides = [1, 1, 1]} : vector<3x1024x8xf32> to vector<1x1024x8xf32>
    %squeeze3A_18 = vector.shape_cast %slice3A_17 : vector<1x1024x8xf32> to vector<1024x8xf32>
    %mul3A_19 = vector.broadcast %broadcast_in_dim3A : vector<1024x1xf32> to vector<1024x8xf32>
    %mul3A_20 = arith.mulf %squeeze3A_18, %mul3A_19 : vector<1024x8xf32>
    %reshape3A_21 = vector.shape_cast %mul3A_20 : vector<1024x8xf32> to vector<2x256x2x8xf32>
    %reduce_sum3A_22 = arith.constant dense<0.000000e+00> : vector<256x8xf32>
    %reduce_sum3A_23 = vector.multi_reduction <add>, %reshape3A_21, %reduce_sum3A_22 [0, 2] : vector<2x256x2x8xf32> to vector<256x8xf32>
    %reshape3A_24 = vector.shape_cast %convert_element_type3A_7 : vector<1024xf32> to vector<2x256x2xf32>
    %reduce_sum3A_25 = arith.constant dense<0.000000e+00> : vector<256xf32>
    %reduce_sum3A_26 = vector.multi_reduction <add>, %reshape3A_24, %reduce_sum3A_25 [0, 2] : vector<2x256x2xf32> to vector<256xf32>
    %concatenate3A = tpu.concatenate %reduce_sum3A_16, %reduce_sum3A_23 in 1 : vector<256x8xf32>, vector<256x8xf32> -> vector<256x16xf32>
    %max3A_27 = arith.constant 1.000000e+00 : f32
    %max3A_28 = vector.broadcast %max3A_27 : f32 to vector<256xf32>
    %max3A_29 = arith.maximumf %reduce_sum3A_26, %max3A_28 : vector<256xf32>
    %broadcast_in_dim3A_30 = vector.shape_cast %max3A_29 : vector<256xf32> to vector<256x1xf32>
    %div3A_31 = vector.broadcast %broadcast_in_dim3A_30 : vector<256x1xf32> to vector<256x16xf32>
    %div3A_32 = arith.divf %concatenate3A, %div3A_31 : vector<256x16xf32>
    %swap3A = arith.constant 0 : index
    %swap3A_33 = arith.constant 0 : index
    %swap3A_34 = arith.constant 0 : index
    %swap3A_35 = arith.constant 0 : index
    %swap3A_36 = vector.load %arg3[%swap3A, %swap3A_33, %swap3A_34, %swap3A_35] : memref<1x1x256x16xf32, #tpu.memory_space<vmem>>, vector<1x1x256x16xf32>
    %swap3A_37 = vector.shape_cast %swap3A_36 : vector<1x1x256x16xf32> to vector<256x16xf32>
    %swap3A_38 = vector.shape_cast %div3A_32 : vector<256x16xf32> to vector<1x1x256x16xf32>
    tpu.vector_store %arg3[%swap3A, %swap3A_33, %swap3A_34, %swap3A_35], %swap3A_38 {strides = array<i32>} : memref<1x1x256x16xf32, #tpu.memory_space<vmem>>, vector<1x1x256x16xf32>,
    return
  }
  func.func @transform_0(%arg0: i32, %arg1: i32) -> (i32, i32, i32, i32) {
    %c0_i32 = arith.constant 0 : i32
    %c0_i32_0 = arith.constant 0 : i32
    %c0_i32_1 = arith.constant 0 : i32
    return %arg0, %c0_i32, %arg1, %c0_i32_0 : i32, i32, i32, i32
  }
  func.func @transform_1(%arg0: i32, %arg1: i32) -> (i32, i32, i32, i32) {
    %c0_i32 = arith.constant 0 : i32
    %c0_i32_0 = arith.constant 0 : i32
    %c0_i32_1 = arith.constant 0 : i32
    return %arg0, %arg1, %c0_i32, %c0_i32_0 : i32, i32, i32, i32
  }
}

</mosaic_0001>

<sc_bundles>
// kernel: kernel.4.cloned.1.call-start
scs
__scs_entry_jumppad:
0x0: {  	(pc) =	sbr.rel $0x88, $3  }
0x1: {  	(tag) =	ssettag $0x0;
	lr =	simm.s32 $0x1  }
0x2: {  	[smem:$0x3F9C] =	sst lr;
	_ =	strace $0xD0000000  }
0x3: {  	_ = 	snop  }
0x4: {  	_ = 	snop  }
0x5: {  	_ = 	snop  }
0x6: {  	_ = 	snop  }
0x7: {  	_ = 	snop  }
__scs_overlays_trampoline_lowered:
0x8: {  	[smem:$0x3FAB] =	sst s0  }
0x9: {  	[smem:$0x3FAC] =	sst s1  }
0xa: {  	[smem:$0x3FAD] =	sst s2  }
0xb: {  	[smem:$0x3FAE] =	sst s3  }
0xc: {  	[smem:$0x3FAF] =	sst s4  }
0xd: {  	[smem:$0x3FB0] =	sst s5  }
0xe: {  	[smem:$0x3FB1] =	sst s6  }
0xf: {  	[smem:$0x3FB2] =	sst s7  }
0x10: {  	[smem:$0x3FB3] =	sst s8  }
0x11: {  	[smem:$0x3FB4] =	sst s9;
	s0 =	simm.s32 @!p0 $0x0  }
0x12: {  	s1 =	sld [smem:$0x3F9A];
	s0 =	simm.s32 @p0 $0x1  }
0x13: {  	[smem:$0x3FB5] =	sst s0;
	s0 =	simm.s32 @!p1 $0x0  }
0x14: {  	s2 =	sld [smem:$0x3F99];
	s0 =	simm.s32 @p1 $0x1  }
0x15: {  	[smem:$0x3FB6] =	sst s0;
	s0 =	simm.s32 @!p2 $0x0  }
0x16: {  	s3 =	sld [smem:$0x3FDB];
	s0 =	simm.s32 @p2 $0x1  }
0x17: {  	s4 =	simm.s32 $0x1BF5;
	[smem:$0x3FB8] =	sst s0  }
0x18: {  	s0 =	sld [smem:$0x3F9B];
	_ =	swait.ge [sflag:s4], $0x0  }
0x19: {  	s7 =	sld [smem:$0x3F9C]  }
0x1a: {  	s8 =	sadd.s32 $0xFFFFE003, lr  }
0x1b: {  	s9 =	sadd.s32 $0xFFFFFEF7, lr;
	s5 =	simm.s32 $0xFFFFFFFF;
	p2 =	slt.u32 s8, $0xFFFFF086  }
0x1c: {  	p1 =	slt.u32 s9, $0xF7A;
	s5 =	simm.s32 @!p2 $0x0  }
0x1d: {  	s5 =	simm.s32 @p1 $0x1;
	p0 =	seq.s32 s7, s2  }
0x1e: {  	s7 =	smul.u32 @!p0 $0xF7A, s2;
	p2 =	seq.s32 @!p0 s5, $0x0  }
0x1f: {  	s9 =	smul.u32 $0xF7A, s1;
	s8 =	simm.s32 @!p0 $0x1BF5;
	p2 =	por !p2, p0  }
0x20: {  	[sflag:s8] =	ssyncset.s32 @!p0 $0xFFFFF086;
	s6 =	sadd.s32 @!p0 s3, s7;
	s7 =	simm.s32 @!p0 $0x108  }
0x21: {  	s3 =	sadd.s32 s3, s9;
	s6 =	sadd.s32 @!p0 $0x88, s6;
	s7 =	simm.s32 @p2 $0x1082  }
0x22: {  	[simem:s7], [sflag:s8] =	dma.local @!p0 [hbm:s6], $0xF7A  }
0x23: {  	s9 =	sor.u32 $0xD0000000, s2;
	s6 =	simm.s32 $0x108;
	_ =	swait.ge @!p0 [sflag:s8], $0x0  }
0x24: {  	s3 =	sadd.s32 $0x88, s3;
	s6 =	simm.s32 @!p1 $0x1082;
	[sflag:s4] =	ssyncset.s32 $0xFFFFF086  }
0x25: {  	[simem:s6], [sflag:s4] =	dma.local [hbm:s3], $0xF7A  }
0x26: {  	[smem:$0x3F9C] =	sst s1;
	(tag) =	ssettag s2;
	_ =	strace s9  }
0x27: {  	s1 =	sld [smem:$0x3FAC]  }
0x28: {  	s2 =	sld [smem:$0x3FAD]  }
0x29: {  	s4 =	sld [smem:$0x3FAF]  }
0x2a: {  	p0 =	seq.s32 s5, $0x0;
	s5 =	sld [smem:$0x3FB0]  }
0x2b: {  	s6 =	sld [smem:$0x3FB1]  }
0x2c: {  	s7 =	sld [smem:$0x3FB2]  }
0x2d: {  	s3 =	simm.s32 $0x108;
	s8 =	sld [smem:$0x3FB3]  }
0x2e: {  	s3 =	simm.s32 @!p0 $0x1082;
	s9 =	sld [smem:$0x3FB4]  }
0x2f: {  	lr =	sadd.s32 s0, s3;
	s0 =	sld [smem:$0x3FAB]  }
0x30: {  	s3 =	sld [smem:$0x3FAE]  }
0x31: {  	[smem:$0x3FB7] =	sst s10  }
0x32: {  	s10 =	sld [smem:$0x3FB5];
	_ =	sdelay $0x3  }
0x33: {  	p0 =	seq.s32 s10, $0x1;
	s10 =	sld [smem:$0x3FB7];
	_ =	sdelay $0x3  }
0x34: {  	[smem:$0x3FB7] =	sst s10  }
0x35: {  	s10 =	sld [smem:$0x3FB6];
	_ =	sdelay $0x3  }
0x36: {  	p1 =	seq.s32 s10, $0x1;
	s10 =	sld [smem:$0x3FB7];
	_ =	sdelay $0x3  }
0x37: {  	[smem:$0x3FB7] =	sst s10  }
0x38: {  	s10 =	sld [smem:$0x3FB8]  }
0x39: {  	_ = 	snop;
	(pc) =	sbr.ind lr, $3  }
0x3a: {  	_ = 	snop  }
0x3b: {  	_ = 	snop  }
0x3c: {  	p2 =	seq.s32 s10, $0x1;
	s10 =	sld [smem:$0x3FB7]  }
0x3d: {  	_ =	shalt  }
0x3e: {  	_ =	shalt  }
0x3f: {  	_ =	shalt  }
0x40: {  	_ =	shalt  }
0x41: {  	_ =	shalt  }
0x42: {  	_ =	shalt  }
0x43: {  	_ =	shalt  }
0x44: {  	_ =	shalt  }
0x45: {  	_ =	shalt  }
0x46: {  	_ =	shalt  }
0x47: {  	_ =	shalt  }
0x48: {  	_ =	shalt  }
0x49: {  	_ =	shalt  }
0x4a: {  	_ =	shalt  }
0x4b: {  	_ =	shalt  }
0x4c: {  	_ =	shalt  }
0x4d: {  	_ =	shalt  }
0x4e: {  	_ =	shalt  }
0x4f: {  	_ =	shalt  }
0x50: {  	_ =	shalt  }
0x51: {  	_ =	shalt  }
0x52: {  	_ =	shalt  }
0x53: {  	_ =	shalt  }
0x54: {  	_ =	shalt  }
0x55: {  	_ =	shalt  }
0x56: {  	_ =	shalt  }
0x57: {  	_ =	shalt  }
0x58: {  	_ =	shalt  }
0x59: {  	_ =	shalt  }
0x5a: {  	_ =	shalt  }
0x5b: {  	_ =	shalt  }
0x5c: {  	_ =	shalt  }
0x5d: {  	_ =	shalt  }
0x5e: {  	_ =	shalt  }
0x5f: {  	_ =	shalt  }
0x60: {  	_ =	shalt  }
0x61: {  	_ =	shalt  }
0x62: {  	_ =	shalt  }
0x63: {  	_ =	shalt  }
0x64: {  	_ =	shalt  }
0x65: {  	_ =	shalt  }
0x66: {  	_ =	shalt  }
0x67: {  	_ =	shalt  }
0x68: {  	_ =	shalt  }
0x69: {  	_ =	shalt  }
0x6a: {  	_ =	shalt  }
0x6b: {  	_ =	shalt  }
0x6c: {  	_ =	shalt  }
0x6d: {  	_ =	shalt  }
0x6e: {  	_ =	shalt  }
0x6f: {  	_ =	shalt  }
0x70: {  	_ =	shalt  }
0x71: {  	_ =	shalt  }
0x72: {  	_ =	shalt  }
0x73: {  	_ =	shalt  }
0x74: {  	_ =	shalt  }
0x75: {  	_ =	shalt  }
0x76: {  	_ =	shalt  }
0x77: {  	_ =	shalt  }
0x78: {  	_ =	shalt  }
0x79: {  	_ =	shalt  }
0x7a: {  	_ =	shalt  }
0x7b: {  	_ =	shalt  }
0x7c: {  	_ =	shalt  }
0x7d: {  	_ =	shalt  }
0x7e: {  	_ =	shalt  }
0x7f: {  	_ =	shalt  }
0x80: {  	_ =	shalt  }
0x81: {  	_ =	shalt  }
0x82: {  	_ =	shalt  }
0x83: {  	_ =	shalt  }
0x84: {  	_ =	shalt  }
0x85: {  	_ =	shalt  }
0x86: {  	_ =	shalt  }
0x87: {  	_ =	shalt  }
.Lfunc_end0:
.L_simem_size_0:
called_computation_lowered:
.L_overlay_start_0:
0x88: {  	s2 =	sld [smem:$0x3FD9]  }
0x89: {  	s3 =	sld [smem:$0x3FFE];
	_ =	sdelay $0x1  }
0x8a: {  	s1 =	srdreg.scid  }
0x8b: {  	s0 =	sand.u32 $0x1, s1  }
0x8c: {  	s17 =	sshll.u32 s0, $0xA;
	s2 =	sadd.s32 s3, s2  }
0x8d: {  	s2 =	sadd.s32 s2, s17  }
0x8e: {  	[smem:$0x3FC3] =	sst s2  }
0x8f: {  	_ = 	snop  }
0x90: {  	s2 =	sld [smem:$0x3FD0];
	(tm) =	ssettm $0x1  }
0x91: {  	s18 =	sld [smem:$0x3FFB];
	_ =	sdelay $0x3  }
0x92: {  	_ =	strace s18  }
0x93: {  	s3 =	sld [smem:$0x3FFC];
	_ =	sdelay $0x3  }
0x94: {  	_ =	strace s3  }
0x95: {  	s3 =	sld [smem:$0x3FFD];
	_ =	sdelay $0x3  }
0x96: {  	_ =	strace s3  }
0x97: {  	_ =	strace $0x8FFFFFFF  }
0x98: {  	s19 =	sld [smem:$0x3FDB];
	_ =	sdelay $0x1  }
0x99: {  	s4 =	simm.s32 $_scs_section_size  }
0x9a: {  	s5 =	simm.s32 $_size__tile_overlayer_lowered;
	s6 =	simm.s32 $_tile_overlayer_lowered  }
0x9b: {  	s22 =	simm.s32 $0x1BFF;
	s21 =	sshll.u32 s6, $0x1;
	s3 =	sadd.s32 s4, s19  }
0x9c: {  	s7 =	simm.s32 $0x0;
	s20 =	sshll.u32 s5, $0x1;
	s5 =	sadd.s32 s21, s3  }
0x9d: {  	[timem:s7], [sflag:s22] =	dma.local [hbm:s5], s20  }
0x9e: {  	_ =	swait.ge [sflag:s22], s20  }
0x9f: {  	s4 =	ssub.s32 $0x0, s20;
	[sflag:s22] =	ssyncset.done $0x0  }
0xa0: {  	[sflag:s22] =	ssyncadd.s32 s4;
	_ =	sdelay $0x1  }
0xa1: {  	s23 =	simm.s32 $0x1B8B  }
0xa2: {  	_ =	swait.ge [sflag:s23], $0x1  }
0xa3: {  	[sflag:s23] =	ssyncset.done $0x0  }
0xa4: {  	s25 =	simm.s32 $0x1B8E;
	s24 =	sld [smem:$0x3FFE];
	[sflag:s23] =	ssyncadd.s32 $0xFFFFFFFF  }
0xa5: {  	s26 =	simm.s32 $execute0_lowered;
	[smem:$0x3FD2] =	sst s25  }
0xa6: {  	s5 =	sshll.u32 s26, $0x1;
	_ =	strace $0x80000046;
	[dreg:$0x1] =	wrdreg $0xFFFFFFFF  }
0xa7: {  	s28 =	simm.s32 $_size_execute0_lowered;
	s3 =	sadd.s32 s3, s5;
	[dreg:$0x0] =	wrdreg $0x0  }
0xa8: {  	s5 =	sshll.u32 s28, $0x1;
	[dreg:$0x2] =	wrdreg s3  }
0xa9: {  	[dreg:$0x3] =	wrdreg s5  }
0xaa: {  	[dreg:$0x4] =	wrdreg $0xC0  }
0xab: {  	_ =	task [dreg:s7], $0x5FFFF  }
0xac: {  	[dreg:$0x1] =	wrdreg $0xFFFFFFFF  }
0xad: {  	[dreg:$0x0] =	wrdreg $0x60  }
0xae: {  	[dreg:$0x2] =	wrdreg s2  }
0xaf: {  	[dreg:$0x3] =	wrdreg s24  }
0xb0: {  	[dreg:$0x4] =	wrdreg $0x0  }
0xb1: {  	[dreg:$0x5] =	wrdreg $0x9  }
0xb2: {  	_ =	task.clear_ibuf [dreg:s7], $0x6FFFF;
	_ =	strace $0x90000046  }
0xb3: {  	s29 =	simm.s32 $0x9;
	_ =	strace $0x80000048  }
0xb4: {  	_ =	swait.ge [sflag:s29], $0x1  }
0xb5: {  	[sflag:s29] =	ssyncadd.s32 $0xFFFFFFFF  }
0xb6: {  	_ =	strace $0x90000048  }
0xb7: {  	_ =	sfence  }
0xb8: {  	s30 =	sld [smem:$0x0];
	_ =	sdelay $0x2  }
0xb9: {  	s31 =	sshll.u32 s1, $0xD;
	s1 =	sshrl.u32 s1, $0x2  }
0xba: {  	s3 =	sand.u32 $0x4000, s31;
	s1 =	sadd.s32 s1, s30  }
0xbb: {  	s0 =	sor.u32 s3, s0;
	s1 =	sshll.u32 s1, $0x11  }
0xbc: {  	s0 =	sor.u32 s1, s0  }
0xbd: {  	s0 =	sadd.s32 $0x8F2B, s0  }
0xbe: {  	[sflag:s0] =	ssyncadd.remote.s32 $0x1  }
0xbf: {  	_ =	sfence.sel $0xFFFF  }
0xc0: {  	[dreg:$0x0] =	wrdreg $0xFFFFFFFF;
	(pc) =	sbr.abs _section_cstart, $3  }
0xc1: {  	[dreg:$0x1] =	wrdreg $0xFFFFFFFF  }
0xc2: {  	_ =	task.clear_ibuf [dreg:s7], $0x2FFFF;
	_ =	strace $0x9FFFFFFF  }
0xc3: {  	(tm) =	ssettm $0x7FFFFFFF  }
tec
execute0_lowered:
.L_overlay_start_1:
0x0: {  	(tag) =	ssettag $0x1  }
0x1: {  	s1 =	rddreg [dreg:$0x0]  }
0x2: {  	s5 =	rddreg [dreg:$0x1]  }
0x3: {  	s3 =	rddreg [dreg:$0x2];
	s0 =	simm.s32 $0x0;
	s15 =	srdreg.scid  }
0x4: {  	s8 =	stileid.u32;
	[smem:$0x7FF] =	sst s0  }
0x5: {  	s0 =	sand.u32 $0x1, s15;
	s6 =	sadd.s32 $0x49800, s5;
	s9 =	smul.u32 $0x6400, s8  }
0x6: {  	s2 =	sshll.u32 s8, $0xD;
	s18 =	smul.u32 $0x19000, s8;
	_ =	strace $0x80000047  }
0x7: {  	s4 =	ssub.s32 $0x2, s0;
	s0 =	sshll.u32 s0, $0x1;
	[dreg:$0x4] =	wrdreg s9  }
0x8: {  	s7 =	sadd.s32 $0x7B800, s5;
	s17 =	sshll.u32 s8, $0x10;
	[dreg:$0x5] =	wrdreg s0  }
0x9: {  	s2 =	sadd.s32 s2, s5;
	s5 =	sadd.s32 s17, s3;
	[dreg:$0x7] =	wrdreg s18  }
0xa: {  	s19 =	sadd.s32 $0x143800, s2;
	[dreg:$0x6] =	wrdreg s5  }
0xb: {  	s21 =	sadd.s32 $0x2000, s5;
	[dreg:$0x8] =	wrdreg s19  }
0xc: {  	s22 =	sadd.s32 $0x4000, s5;
	[dreg:$0xa] =	wrdreg s21  }
0xd: {  	s28 =	simm.s32 $0x14650;
	s23 =	sadd.s32 $0x6000, s5;
	[dreg:$0xb] =	wrdreg s22  }
0xe: {  	s29 =	simm.s32 $0x80;
	s24 =	sadd.s32 $0x8000, s5;
	[dreg:$0xc] =	wrdreg s23  }
0xf: {  	s30 =	simm.s32 $0x0;
	s25 =	sadd.s32 $0xA000, s5;
	[dreg:$0xd] =	wrdreg s24  }
0x10: {  	s16 =	sshrl.u32 s4, $0x1;
	s26 =	sadd.s32 $0xC000, s5;
	[dreg:$0xe] =	wrdreg s25  }
0x11: {  	v0 =	vlaneseq.u32;
	s31 =	sadd.s32 $0xE000, s5;
	s2 =	simm.s32 $0x0;
	[dreg:$0xf] =	wrdreg s26  }
0x12: {  	v2 =	vimm.f32 $0.0e+00;
	vm0 =	vcmask $0x300;
	v1 =	vand.u32 $0x7, v0;
	s4 =	ssub.s32 s4, s16;
	[dreg:$0x10] =	wrdreg s31;
	s22 =	simm.s32 $0x1  }
0x13: {  	v2 =	vsel vm0, $0x3F800000, v2;
	vm0 =	vcmask $0x2320;
	v3 =	vshrl.u32 v0, $0x3;
	s23 =	simm.s32 $0x10040;
	s24 =	simm.s32 $0x11440;
	s20 =	smax.u32 s4, $0x1  }
0x14: {  	v2 =	vsel vm0, $0x3F800000, v2;
	vm0 =	vmmov $0xff;
	v3 =	vmul.u32 $0x8, v3;
	s25 =	simm.s32 $0x11E50;
	s26 =	simm.s32 $0x10A40;
	[dreg:$0x9] =	wrdreg s20  }
.LBB2_1:
0x15: {  	[dreg:$0x11] =	wrdreg s2  }
0x16: {  	s0 =	rddreg [dreg:$0x1];
	s21 =	simm.s32 $0x0;
	s4 =	simm.s32 $0x19650  }
0x17: {  	[tilespmem:s4], [sflag:$0x1] =	stream.linear.gather [hbm4b:s0+s21], $0x2000, $0x38;
	[tilespmem:$0x1B650] =	vst v63  }
0x18: {  	_ =	swait.ge [sflag:s22], $0x2000  }
0x19: {  	[sflag:s22] =	ssyncset.done $0x0  }
0x1a: {  	s31 =	simm.s32 $0x0;
	[sflag:s22] =	ssyncadd.s32 $0xFFFFE000  }
.LBB2_2:
0x1b: {  	s4 =	simm.s32 $0x19650  }
0x1c: {  	[spmem:s5] =	stream.linear.scatter [tilespmem:s4], [sflag:$0x1], $0x2000, $0x38;
	[tilespmem:$0x1B650] =	vst v63  }
0x1d: {  	_ =	swait.ge [sflag:s22], $0x2000  }
0x1e: {  	[sflag:s22] =	ssyncset.done $0x0  }
0x1f: {  	s0 =	rddreg [dreg:$0xa];
	[sflag:s22] =	ssyncadd.s32 $0xFFFFE000  }
0x20: {  	[spmem:s0] =	stream.linear.scatter [tilespmem:s4], [sflag:$0x1], $0x2000, $0x38;
	[tilespmem:$0x1B650] =	vst v63  }
0x21: {  	_ =	swait.ge [sflag:s22], $0x2000  }
0x22: {  	[sflag:s22] =	ssyncset.done $0x0  }
0x23: {  	s10 =	rddreg [dreg:$0xb];
	[sflag:s22] =	ssyncadd.s32 $0xFFFFE000  }
0x24: {  	[spmem:s10] =	stream.linear.scatter [tilespmem:s4], [sflag:$0x1], $0x2000, $0x38;
	[tilespmem:$0x1B650] =	vst v63  }
0x25: {  	_ =	swait.ge [sflag:s22], $0x2000  }
0x26: {  	[sflag:s22] =	ssyncset.done $0x0  }
0x27: {  	s11 =	rddreg [dreg:$0xc];
	[sflag:s22] =	ssyncadd.s32 $0xFFFFE000  }
0x28: {  	[spmem:s11] =	stream.linear.scatter [tilespmem:s4], [sflag:$0x1], $0x2000, $0x38;
	[tilespmem:$0x1B650] =	vst v63  }
0x29: {  	_ =	swait.ge [sflag:s22], $0x2000  }
0x2a: {  	[sflag:s22] =	ssyncset.done $0x0  }
0x2b: {  	s12 =	rddreg [dreg:$0xd];
	[sflag:s22] =	ssyncadd.s32 $0xFFFFE000  }
0x2c: {  	[spmem:s12] =	stream.linear.scatter [tilespmem:s4], [sflag:$0x1], $0x2000, $0x38;
	[tilespmem:$0x1B650] =	vst v63  }
0x2d: {  	_ =	swait.ge [sflag:s22], $0x2000  }
0x2e: {  	[sflag:s22] =	ssyncset.done $0x0  }
0x2f: {  	s13 =	rddreg [dreg:$0xe];
	[sflag:s22] =	ssyncadd.s32 $0xFFFFE000  }
0x30: {  	[spmem:s13] =	stream.linear.scatter [tilespmem:s4], [sflag:$0x1], $0x2000, $0x38;
	[tilespmem:$0x1B650] =	vst v63  }
0x31: {  	_ =	swait.ge [sflag:s22], $0x2000  }
0x32: {  	s15 =	smul.u32 $0xAB, s31;
	[sflag:s22] =	ssyncset.done $0x0  }
0x33: {  	p0 =	sgt.u32 s31, $0x5;
	s14 =	rddreg [dreg:$0xf];
	[sflag:s22] =	ssyncadd.s32 $0xFFFFE000  }
0x34: {  	[spmem:s14] =	stream.linear.scatter [tilespmem:s4], [sflag:$0x1], $0x2000, $0x38;
	[tilespmem:$0x1B650] =	vst v63  }
0x35: {  	s9 =	simm.s32 $0xFFFE0000;
	s16 =	sshrl.u32 s15, $0x9;
	_ =	swait.ge [sflag:s22], $0x2000  }
0x36: {  	s17 =	sand.u32 $0x7F, s16;
	s0 =	simm.s32 $0x1;
	[sflag:s22] =	ssyncset.done $0x0  }
0x37: {  	s0 =	simm.s32 @!p0 $0x0;
	s2 =	rddreg [dreg:$0x10];
	[sflag:s22] =	ssyncadd.s32 $0xFFFFE000  }
0x38: {  	[spmem:s2] =	stream.linear.scatter [tilespmem:s4], [sflag:$0x1], $0x2000, $0x38;
	[tilespmem:$0x1B650] =	vst v63  }
0x39: {  	s4 =	smul.u32 $0x3, s17;
	s2 =	sand.u32 $0x1, s16;
	_ =	swait.ge [sflag:s22], $0x2000  }
0x3a: {  	p0 =	seq.s32 s2, $0x1;
	[sflag:s22] =	ssyncset.done $0x0;
	s18 =	rddreg [dreg:$0x5]  }
0x3b: {  	s4 =	ssub.s32 s31, s4;
	[sflag:s22] =	ssyncadd.s32 $0xFFFFE000;
	s0 =	sor.u32 s0, s18  }
0x3c: {  	s5 =	sand.u32 $0xFF, s4;
	s8 =	smul.u32 $0x64000, s0;
	[bflag:$0x0] =	sbarrier.arrive $0xFFFF  }
0x3d: {  	s19 =	smul.u32 $0x190000, s0;
	s11 =	sshll.u32 s5, $0x3;
	s20 =	rddreg [dreg:$0x4]  }
0x3e: {  	s9 =	simm.s32 @!p0 $0x0;
	s4 =	simm.s32 $0x0;
	s21 =	rddreg [dreg:$0x7];
	v5 =	vor.u32 s11, v1  }
0x3f: {  	v4 =	vmov s9;
	p1 =	seq.s32 s5, $0x2;
	s2 =	sadd.s32 s20, s8;
	s13 =	sadd.s32 s21, s19;
	v5 =	vmin.u32 v5, $0xF  }
.LBB2_3:
0x40: {  	s8 =	smul.u32 $0xA00, s4;
	_ =	sdelay $0x1  }
0x41: {  	s8 =	sadd.s32 s8, s2  }
0x42: {  	s8 =	sshrl.u32 s8, $0x3  }
0x43: {  	s9 =	sadd.s32 s1, s8  }
0x44: {  	[tilespmem:s23], [sflag:$0x1] =	stream.linear.gather [hbm4b:s9+s30], $0xA00, $0x38;
	[tilespmem:$0x1B650] =	vst v63  }
0x45: {  	_ =	swait.ge [sflag:s22], $0xA00  }
0x46: {  	s18 =	smul.u32 $0x2800, s4;
	s19 =	simm.s32 $0x0;
	[sflag:s22] =	ssyncset.done $0x0  }
0x47: {  	s11 =	sand.u32 $0x70, s30;
	s8 =	sadd.s32 s6, s8;
	[sflag:s22] =	ssyncadd.s32 $0xFFFFF600  }
0x48: {  	[tilespmem:s24], [sflag:$0x1] =	stream.linear.gather [hbm4b:s8+s30], $0xA00, $0x38;
	[tilespmem:$0x1B650] =	vst v63  }
0x49: {  	s9 =	sand.u32 $0xFFFFFF80, s19;
	s8 =	sadd.s32 s18, s13;
	_ =	swait.ge [sflag:s22], $0xA00  }
0x4a: {  	s9 =	sor.u32 s11, s9;
	s8 =	sshrl.u32 s8, $0x3;
	[sflag:s22] =	ssyncset.done $0x0  }
0x4b: {  	v6 =	vor.u32 s9, v0;
	s8 =	sadd.s32 s7, s8;
	[sflag:s22] =	ssyncadd.s32 $0xFFFFF600  }
0x4c: {  	[tilespmem:s25], [sflag:$0x1] =	stream.linear.gather [hbm4b:s8+s30], $0x2800, $0x38;
	[tilespmem:$0x1B650] =	vst v63  }
0x4d: {  	s20 =	simm.s32 $0x10;
	s21 =	simm.s32 $0x10;
	_ =	swait.ge [sflag:s22], $0x2800  }
0x4e: {  	s9 =	sand.u32 $0xFFFFFF80, s21;
	s8 =	sand.u32 $0x70, s20;
	[sflag:s22] =	ssyncset.done $0x0  }
0x4f: {  	s8 =	sor.u32 s8, s9;
	[sflag:s22] =	ssyncadd.s32 $0xFFFFD800  }
0x50: {  	v8 =	vor.u32 s8, v0;
	v9 =	vld.idx.msk [tilespmem:v6+s23+$0x0], $0xffff;
	_ =	sdelay $0x1  }
0x51: {  	s9 =	simm.s32 $0x20;
	s8 =	simm.s32 $0x2;
	v7 =	vmov v8  }
.LBB2_4:
0x52: {  	s11 =	sshll.u32 s8, $0x4;
	p2 =	sne.s32 s8, $0x9F;
	s8 =	sadd.s32 $0x1, s8  }
.Ltmp0:
0x53: {  	s12 =	sand.u32 $0x70, s9;
	s11 =	sand.u32 $0xFFFFFF80, s11;
	(pc) =	sbr.rel @p2 .LBB2_4-.Ltmp0, $4  }
0x54: {  	v10 =	vadd.s32 v4, v9;
	s11 =	sor.u32 s12, s11;
	v9 =	vld.idx.msk [tilespmem:v8+s23+$0x0], $0xffff  }
0x55: {  	v10 =	vmin.u32 v10, $0x20000;
	v8 =	vor.u32 s11, v0  }
0x56: {  	[tilespmem:v6+s26+$0x0] =	vst.idx.msk $0xffff, v10;
	v6 =	vmov v7;
	v7 =	vmov v8  }
0x57: {  	s9 =	sadd.s32 $0x10, s9  }
0x58: {  	_ =	sdelay $0x3  }
0x59: {  	v8 =	vld.idx.msk [tilespmem:v8+s23+$0x0], $0xffff;
	_ =	sdelay $0x3  }
0x5a: {  	v9 =	vadd.s32 v4, v9  }
0x5b: {  	v9 =	vmin.u32 v9, $0x20000;
	v8 =	vadd.s32 v4, v8  }
0x5c: {  	s8 =	simm.s32 $0x1;
	[tilespmem:v6+s26+$0x0] =	vst.idx.msk $0xffff, v9;
	v6 =	vmin.u32 v8, $0x20000  }
0x5d: {  	s9 =	simm.s32 $0x0;
	s11 =	simm.s32 $0x11444;
	s12 =	simm.s32 $0x0;
	[tilespmem:v7+s26+$0x0] =	vst.idx.msk $0xffff, v6  }
.LBB2_6:
0x5e: {  	s17 =	sshll.u32 s8, $0x4  }
0x5f: {  	s14 =	sadd.s32 $0xFFFFFFF0, s17  }
0x60: {  	v6 =	vor.u32 s14, v5;
	_ =	sdelay $0x1  }
0x61: {  	v7 =	vld [tilespmem:s11+$0xFFFFFFFC];
	_ =	sdelay $0x2  }
0x62: {  	s18 =	sadd.s32 $0x0, s9;
	s19 =	sadd.s32 $0x2, s8;
	v6 =	vld.idx.msk [tilespmem:v6+s25+$0x0], $0xffff  }
0x63: {  	v8 =	vmov s18;
	s16 =	sshll.u32 s19, $0x4  }
0x64: {  	v14 =	vld [tilespmem:s11+$0x0];
	s21 =	sadd.s32 $0x2, s18;
	v8 =	vshll.u32 v8, $0x3;
	s20 =	sadd.s32 $0xFFFFFFF0, s16;
	v9 =	vbroadcast v7, $0x0;
	v7 =	vbroadcast v7, $0x1  }
0x65: {  	s14 =	sadd.s32 $0x8, s11;
	v15 =	vmov s21;
	v8 =	vor.u32 v3, v8;
	v13 =	vor.u32 s20, v5  }
0x66: {  	s20 =	sadd.s32 $0x4, s18;
	v10 =	vor.u32 v1, v8;
	v8 =	vld [tilespmem:s14+$0xFFFFFFFC];
	v7 =	vsel vm0, v9, v7;
	v9 =	vor.u32 s17, v5  }
0x67: {  	s18 =	sadd.s32 $0x6, s18;
	v15 =	vshll.u32 v15, $0x3;
	v16 =	vmov s20;
	v11 =	vpsel p1, v2, v6  }
0x68: {  	v17 =	vmov s18;
	v15 =	vor.u32 v3, v15;
	v12 =	vmul.f32 v7, v11;
	v7 =	vld [tilespmem:s11+$0xFFFFFFFE]  }
0x69: {  	v18 =	vld [tilespmem:s11+$0x2];
	v16 =	vshll.u32 v16, $0x3;
	v17 =	vshll.u32 v17, $0x3;
	v24 =	vbroadcast v14, $0x0  }
0x6a: {  	s15 =	sadd.s32 $0x8, s9;
	v14 =	vbroadcast v14, $0x1;
	v16 =	vor.u32 v3, v16;
	v17 =	vor.u32 v3, v17  }
0x6b: {  	v20 =	vbroadcast v8, $0x0;
	v22 =	vbroadcast v8, $0x1;
	v6 =	vmov s15;
	v19 =	vld.idx.msk [tilespmem:v9+s25+$0x0], $0xffff  }
0x6c: {  	v8 =	vor.u32 v1, v16;
	v21 =	vld.idx.msk [tilespmem:v9+s25+$0x0], $0xffff;
	v9 =	vor.u32 v1, v15;
	v6 =	vshll.u32 v6, $0x3  }
0x6d: {  	v13 =	vld.idx.msk [tilespmem:v13+s25+$0x0], $0xffff;
	v6 =	vor.u32 v3, v6;
	v23 =	vbroadcast v7, $0x0;
	v15 =	vbroadcast v7, $0x1  }
0x6e: {  	v16 =	vbroadcast v18, $0x0;
	v6 =	vor.u32 v1, v6;
	[tilespmem:v10+s28+$0x0] =	vst.idx.msk $0xffff, v12;
	v10 =	vsel vm0, v20, v22  }
0x6f: {  	v7 =	vor.u32 v1, v17;
	v12 =	vsel vm0, v23, v15;
	v15 =	vbroadcast v18, $0x1  }
0x70: {  	v12 =	vmul.f32 v12, v11;
	v11 =	vsel vm0, v24, v14;
	v14 =	vpsel p1, v2, v19  }
0x71: {  	s18 =	sadd.s32 $0x8, s14;
	s17 =	sadd.s32 $0x2, s19;
	s19 =	simm.s32 $0x10;
	v11 =	vmul.f32 v11, v14;
	v14 =	vsel vm0, v16, v15;
	v15 =	vpsel p1, v2, v21  }
.LBB2_7:
0x72: {  	s20 =	sadd.s32 s19, s9;
	v16 =	vld [tilespmem:s18+$0xFFFFFFFC];
	p2 =	sne.s32 s19, $0x78;
	v17 =	vpsel p1, v2, v13;
	v13 =	vor.u32 s16, v5;
	s16 =	sshll.u32 s17, $0x4;
	[tilespmem:v9+s28+$0x0] =	vst.idx.msk $0xffff, v12;
	v9 =	vmul.f32 v14, v15  }
0x73: {  	v12 =	vmov s20;
	s10 =	sadd.s32 $0xFFFFFFF0, s16;
	v10 =	vmul.f32 v10, v17;
	v14 =	vld [tilespmem:s14+$0xFFFFFFFE];
	[tilespmem:v8+s28+$0x0] =	vst.idx.msk $0xffff, v11  }
0x74: {  	s21 =	sadd.s32 $0x4, s15;
	v8 =	vshll.u32 v12, $0x3;
	v11 =	vor.u32 s10, v5;
	s10 =	sadd.s32 $0x2, s15;
	v12 =	vld [tilespmem:s14+$0x0];
	s15 =	sadd.s32 $0x6, s15;
	[tilespmem:v7+s28+$0x0] =	vst.idx.msk $0xffff, v9  }
0x75: {  	v7 =	vmov s21;
	[tilespmem:v6+s28+$0x0] =	vst.idx.msk $0xffff, v10;
	v6 =	vmov s10;
	v9 =	vmov s15;
	s15 =	smov.u32 s20  }
0x76: {  	v8 =	vor.u32 v3, v8;
	v7 =	vshll.u32 v7, $0x3;
	v10 =	vshll.u32 v6, $0x3;
	v15 =	vld [tilespmem:s14+$0x2];
	s14 =	smov.u32 s18  }
0x77: {  	v6 =	vor.u32 v1, v8;
	v9 =	vshll.u32 v9, $0x3;
	v8 =	vor.u32 v3, v10;
	v18 =	vld.idx.msk [tilespmem:v13+s25+$0x0], $0xffff  }
0x78: {  	v7 =	vor.u32 v3, v7;
	v10 =	vbroadcast v16, $0x0;
	v20 =	vor.u32 v3, v9;
	v19 =	vld.idx.msk [tilespmem:v13+s25+$0x0], $0xffff  }
0x79: {  	v16 =	vbroadcast v16, $0x1;
	v9 =	vor.u32 v1, v8;
	v13 =	vld.idx.msk [tilespmem:v11+s25+$0x0], $0xffff;
	v11 =	vbroadcast v14, $0x0  }
.Ltmp1:
0x7a: {  	v8 =	vor.u32 v1, v7;
	v14 =	vbroadcast v14, $0x1;
	v21 =	vbroadcast v12, $0x0;
	(pc) =	sbr.rel @p2 .LBB2_7-.Ltmp1, $4  }
0x7b: {  	v7 =	vor.u32 v1, v20;
	v22 =	vbroadcast v12, $0x1;
	v23 =	vbroadcast v15, $0x0  }
0x7c: {  	v10 =	vsel vm0, v10, v16;
	v11 =	vsel vm0, v11, v14;
	v14 =	vbroadcast v15, $0x1  }
0x7d: {  	v12 =	vmul.f32 v11, v17;
	v11 =	vsel vm0, v21, v22;
	v15 =	vpsel p1, v2, v18  }
0x7e: {  	s17 =	sadd.s32 $0x2, s17;
	s19 =	sadd.s32 $0x8, s19;
	s18 =	sadd.s32 $0x8, s18;
	v11 =	vmul.f32 v11, v15;
	v14 =	vsel vm0, v23, v14;
	v15 =	vpsel p1, v2, v19  }
0x7f: {  	v16 =	vor.u32 s16, v5;
	_ =	sdelay $0x1  }
0x80: {  	v17 =	vld [tilespmem:s14+$0xFFFFFFFE];
	v13 =	vpsel p1, v2, v13;
	s10 =	sadd.s32 $0x2, s15  }
0x81: {  	v18 =	vld [tilespmem:s14+$0x0];
	v14 =	vmul.f32 v14, v15;
	s18 =	sadd.s32 $0x4, s15;
	s19 =	sadd.s32 $0x6, s15;
	v10 =	vmul.f32 v10, v13;
	v48 =	vmov s10  }
0x82: {  	v19 =	vld [tilespmem:s14+$0x2];
	[tilespmem:v9+s28+$0x0] =	vst.idx.msk $0xffff, v12;
	v20 =	vmov s18;
	v21 =	vmov s19;
	v15 =	vshll.u32 v48, $0x3  }
0x83: {  	[tilespmem:v8+s28+$0x0] =	vst.idx.msk $0xffff, v11;
	v49 =	vshll.u32 v20, $0x3;
	v52 =	vshll.u32 v21, $0x3;
	v50 =	vor.u32 v3, v15;
	v51 =	vld.idx.msk [tilespmem:v16+s25+$0x0], $0xffff  }
0x84: {  	v9 =	vor.u32 v3, v49;
	v20 =	vor.u32 v3, v52;
	v54 =	vor.u32 v1, v50;
	v16 =	vld.idx.msk [tilespmem:v16+s25+$0x0], $0xffff  }
0x85: {  	[tilespmem:v7+s28+$0x0] =	vst.idx.msk $0xffff, v14;
	v7 =	vor.u32 v1, v9;
	v53 =	vbroadcast v17, $0x0;
	v55 =	vbroadcast v17, $0x1  }
0x86: {  	[tilespmem:v6+s28+$0x0] =	vst.idx.msk $0xffff, v10;
	v6 =	vor.u32 v1, v20;
	v56 =	vbroadcast v18, $0x0;
	v57 =	vbroadcast v18, $0x1  }
0x87: {  	v58 =	vbroadcast v19, $0x0;
	v60 =	vbroadcast v19, $0x1;
	v59 =	vsel vm0, v53, v55  }
0x88: {  	v9 =	vsel vm0, v56, v57;
	v10 =	vmul.f32 v59, v13;
	v61 =	vpsel p1, v2, v51  }
0x89: {  	s20 =	sshll.u32 s12, $0xA;
	v11 =	vsel vm0, v58, v60;
	v62 =	vpsel p1, v2, v16;
	v9 =	vmul.f32 v9, v61  }
0x8a: {  	s21 =	sshll.u32 s12, $0x7;
	s12 =	sadd.s32 $0x1, s12;
	s10 =	sand.u32 $0x3FFFFC00, s20;
	[tilespmem:v54+s28+$0x0] =	vst.idx.msk $0xffff, v10;
	v63 =	vmul.f32 v11, v62  }
0x8b: {  	s14 =	sand.u32 $0x3FFFFF80, s21;
	p2 =	sne.s32 s12, $0x14;
	[tilespmem:v7+s28+$0x0] =	vst.idx.msk $0xffff, v9  }
.Ltmp2:
0x8c: {  	s10 =	sadd.s32 $0x14650, s10;
	s14 =	sadd.s32 $0x10A40, s14;
	[tilespmem:v6+s28+$0x0] =	vst.idx.msk $0xffff, v63;
	(pc) =	sbr.rel @p2 .LBB2_6-.Ltmp2, $4  }
0x8d: {  	[spmem:s3] =	stream.indirect.scatter.add.f32 [tilespmem:s10], [sflag:$0x1], $0x8, s14, s29, $0xb8;
	[tilespmem:$0x1B650] =	vst v63  }
0x8e: {  	_ =	swait.ge [sflag:s22], $0x400  }
0x8f: {  	s8 =	sadd.s32 $0x20, s8;
	[sflag:s22] =	ssyncset.done $0x0  }
0x90: {  	s9 =	sadd.s32 $0x80, s9;
	s11 =	sadd.s32 $0x80, s11;
	[sflag:s22] =	ssyncadd.s32 $0xFFFFFC00  }
0x91: {  	s4 =	sadd.s32 $0x1, s4  }
0x92: {  	p2 =	sne.s32 s4, $0xA  }
.Ltmp3:
0x93: {  	_ = 	snop;
	(pc) =	sbr.rel @p2 .LBB2_3-.Ltmp3, $1  }
0x94: {  	_ =	sdelay $0x3  }
0x95: {  	s0 =	smul.u32 $0x600000, s0;
	s2 =	sshll.u32 s5, $0x15;
	[bflag:$0x0] =	sbarrier.arrive $0xFFFF  }
0x96: {  	s4 =	simm.s32 $0x20000;
	s19 =	stileid.u32;
	s18 =	rddreg [dreg:$0x8]  }
0x97: {  	s31 =	sadd.s32 $0x1, s31;
	s4 =	simm.s32 @!p0 $0x0;
	s5 =	rddreg [dreg:$0x6]  }
0x98: {  	p0 =	sne.s32 s31, $0xC;
	s0 =	sadd.s32 s2, s0;
	s2 =	sadd.s32 s4, s18  }
0x99: {  	s4 =	sshll.u32 s19, $0x6;
	s21 =	sshrl.u32 s5, $0x3;
	s0 =	sshrl.u32 s0, $0x3  }
.Ltmp4:
0x9a: {  	s20 =	sor.u32 $0x1C01, s4;
	s0 =	sadd.s32 s0, s2;
	(pc) =	sbr.rel @p0 .LBB2_2-.Ltmp4, $4  }
0x9b: {  	[hbm:s0], [sflag:s20] =	dma.local [spmem:s21], $0x2000  }
0x9c: {  	_ =	swait.ge [sflag:s22], $0x2000  }
0x9d: {  	[sflag:s22] =	ssyncset.done $0x0  }
0x9e: {  	[sflag:s22] =	ssyncadd.s32 $0xFFFFE000  }
0x9f: {  	s2 =	rddreg [dreg:$0x11]  }
0xa0: {  	s0 =	rddreg [dreg:$0x9];
	s2 =	sadd.s32 $0x1, s2  }
0xa1: {  	p0 =	sne.s32 s2, s0  }
.Ltmp5:
0xa2: {  	_ = 	snop;
	(pc) =	sbr.rel @p0 .LBB2_1-.Ltmp5, $1  }
0xa3: {  	_ =	sdelay $0x3  }
0xa4: {  	_ =	sfence.sel $0x180000  }
0xa5: {  	[bflag:$0x0] =	sbarrier.arrive $0xFFFF  }
0xa6: {  	_ =	strace $0x90000047  }
0xa7: {  	s0 =	stileid.u32;
	[bflag:$0x2] =	sbarrier.arrive $0xFFFF  }
0xa8: {  	p0 =	sne.s32 s0, $0x0;
	s0 =	rddreg [dreg:$0x3]  }
0xa9: {  	s0 =	sadd.s32 @!p0 $0x100000, s0  }
0xaa: {  	[sflag:s0] =	ssyncadd.tile.s32 @!p0 $0x1;
	_ =	shalt  }
.Lfunc_end2:
_tile_overlayer_lowered:
.L_overlay_start_2:
0xab: {  	(tag) =	ssettag $0x2  }
0xac: {  	s0 =	rddreg [dreg:$0x0];
	s2 =	stileid.u32  }
0xad: {  	s1 =	rddreg [dreg:$0x1];
	p0 =	sne.s32 s2, $0x0  }
0xae: {  	s3 =	rddreg [dreg:$0x2];
	[bflag:$0x3] =	sbarrier.arrive $0xFFFF;
	s2 =	simm.s32 @!p0 $0x1C01  }
0xaf: {  	[timem:s3], [sflag:s2] =	dma.local @!p0 [hbm:s0], s1  }
0xb0: {  	s0 =	simm.s32 @!p0 $0x1  }
0xb1: {  	_ =	swait.ge @!p0 [sflag:s0], s1  }
0xb2: {  	s1 =	ssub.s32 @!p0 $0x0, s1;
	[sflag:s0] =	ssyncset.done @!p0 $0x0  }
0xb3: {  	[sflag:s0] =	ssyncadd.s32 @!p0 s1  }
0xb4: {  	[bflag:$0x3] =	sbarrier.arrive $0xFFFF  }
0xb5: {  	_ =	shalt  }

</sc_bundles>
